<compile_context>
chip_gen: v7x
topology: tpu7x:2x2x1
jax: 0.10.2.dev20260603
libtpu: 0.0.44.dev20260713+nightly
codegen_flags: <defaults>
</compile_context>

<pallas_src>
import functools

import jax
import jax.numpy as jnp
from jax import lax
from jax.experimental import pallas as pl
from jax.experimental.pallas import tpu as pltpu
from jax.experimental.pallas import tpu_sc as plsc

_NUM_WORKERS = 32
_CHUNK = 128
_TBLK = 2048


def _tc_transpose_pack(eT):
  D, N = eT.shape
  grid = pl.cdiv(N, 2 * _TBLK)
  last_blk = (N - 1) // _TBLK

  def body(xa_ref, xb_ref, o_ref):
    eye = (lax.broadcasted_iota(jnp.int32, (D, D), 0) ==
           lax.broadcasted_iota(jnp.int32, (D, D), 1)).astype(jnp.float32)
    dn = (((0,), (0,)), ((), ()))
    ya = lax.dot_general(xa_ref[...], eye, dn,
                         preferred_element_type=jnp.float32)
    yb = lax.dot_general(xb_ref[...], eye, dn,
                         preferred_element_type=jnp.float32)
    o_ref[...] = jnp.concatenate([ya, yb], axis=1)

  return pl.pallas_call(
      body,
      grid=(grid,),
      in_specs=[
          pl.BlockSpec((D, _TBLK),
                       lambda i: (0, jnp.minimum(2 * i, last_blk))),
          pl.BlockSpec((D, _TBLK),
                       lambda i: (0, jnp.minimum(2 * i + 1, last_blk))),
      ],
      out_specs=pl.BlockSpec((_TBLK, 2 * D), lambda i: (i, 0)),
      out_shape=jax.ShapeDtypeStruct((grid * _TBLK, 2 * D), jnp.float32),
  )(eT, eT)


def _sc_gather_pair(urow, mrow, Eu2, Em2):
  W = Eu2.shape[1]
  B = urow.shape[0]
  rows_w = B // _NUM_WORKERS
  nck = rows_w // _CHUNK

  mesh = plsc.VectorSubcoreMesh(core_axis_name="c", subcore_axis_name="s")

  @functools.partial(
      pl.kernel,
      out_type=(jax.ShapeDtypeStruct((B, W), jnp.float32),
                jax.ShapeDtypeStruct((B, W), jnp.float32)),
      mesh=mesh,
      compiler_params=pltpu.CompilerParams(use_tc_tiling_on_sc=False),
      scratch_types=[
          pltpu.VMEM((rows_w,), jnp.int32),
          pltpu.VMEM((rows_w,), jnp.int32),
          pltpu.VMEM((rows_w, W), jnp.float32),
          pltpu.SemaphoreType.DMA,
          pltpu.SemaphoreType.DMA,
      ],
  )
  def gather_kernel(u_hbm, m_hbm, eu_hbm, em_hbm, ou_hbm, om_hbm,
                    iu_v, im_v, rows_v, sem_u, sem_m):
    wid = lax.axis_index("s") * 2 + lax.axis_index("c")
    base = wid * rows_w
    pltpu.sync_copy(u_hbm.at[pl.ds(base, rows_w)], iu_v)
    pltpu.sync_copy(m_hbm.at[pl.ds(base, rows_w)], im_v)
    copies = []
    for j in range(nck):
      copies.append(pltpu.async_copy(
          eu_hbm.at[iu_v.at[pl.ds(j * _CHUNK, _CHUNK)]],
          rows_v.at[pl.ds(j * _CHUNK, _CHUNK)], sem_u))
    for c in copies:
      c.wait()
    pltpu.sync_copy(rows_v, ou_hbm.at[pl.ds(base, rows_w)])
    copies = []
    for j in range(nck):
      copies.append(pltpu.async_copy(
          em_hbm.at[im_v.at[pl.ds(j * _CHUNK, _CHUNK)]],
          rows_v.at[pl.ds(j * _CHUNK, _CHUNK)], sem_m))
    for c in copies:
      c.wait()
    pltpu.sync_copy(rows_v, om_hbm.at[pl.ds(base, rows_w)])

  return gather_kernel(urow, mrow, Eu2, Em2)


def _tc_dense(idx5, blku, blkm, E_g, E_a, E_j, att_W, att_b):
  B = blku.shape[0]
  D = att_W.shape[1]
  BM = 1024
  NB = B // BM

  def pad_rows(t, n):
    return jnp.concatenate(
        [t, jnp.zeros((n - t.shape[0], t.shape[1]), t.dtype)], axis=0)

  NG, NA, NJ = 8, 8, 24
  Egp = pad_rows(E_g, NG)
  Eap = pad_rows(E_a, NA)
  Ejp = pad_rows(E_j, NJ)
  b2 = att_b.reshape(1, D)

  def body(i5_ref, bu_ref, bm_ref,
           eg_ref, ea_ref, ej_ref, w_ref, b_ref, o_ref):
    idxT = jnp.transpose(i5_ref[...], (1, 0))
    g_col = idxT[:, 0:1]
    a_col = idxT[:, 1:2]
    j_col = idxT[:, 2:3]
    usel = idxT[:, 3:4] == 1
    msel = idxT[:, 4:5] == 1
    bu = bu_ref[...]
    bm = bm_ref[...]
    eu = jnp.where(usel, bu[:, D:], bu[:, :D])
    em = jnp.where(msel, bm[:, D:], bm[:, :D])
    w_top = w_ref[:D, :]
    w_bot = w_ref[D:, :]
    m = jnp.dot(em, w_top, preferred_element_type=jnp.float32) + b_ref[...]

    def attr_cell(ids, table_ref, n):
      oh = (ids == lax.broadcasted_iota(jnp.int32, (BM, n), 1)
            ).astype(jnp.float32)
      tbl = table_ref[...]
      proj = jnp.dot(tbl, w_bot, preferred_element_type=jnp.float32)
      both = jnp.dot(oh, jnp.concatenate([tbl, proj], axis=1),
                     preferred_element_type=jnp.float32)
      e_att = both[:, :D]
      v = m + both[:, D:]
      v = v - jnp.max(v, axis=1, keepdims=True)
      ex = jnp.exp(v)
      lam = ex / jnp.sum(ex, axis=1, keepdims=True)
      return lam * e_att

    cg = attr_cell(g_col, eg_ref, NG)
    ca = attr_cell(a_col, ea_ref, NA)
    cj = attr_cell(j_col, ej_ref, NJ)
    t = cg + ca + cj
    mn = cg * cg + ca * ca + cj * cj
    p_u = eu * t + 0.5 * (t * t - mn)
    o_ref[...] = jnp.sum(p_u * em, axis=1, keepdims=True)

  return pl.pallas_call(
      body,
      grid=(NB,),
      in_specs=[
          pl.BlockSpec((5, BM), lambda i: (0, i)),
          pl.BlockSpec((BM, 2 * D), lambda i: (i, 0)),
          pl.BlockSpec((BM, 2 * D), lambda i: (i, 0)),
          pl.BlockSpec((NG, D), lambda i: (0, 0)),
          pl.BlockSpec((NA, D), lambda i: (0, 0)),
          pl.BlockSpec((NJ, D), lambda i: (0, 0)),
          pl.BlockSpec((2 * D, D), lambda i: (0, 0)),
          pl.BlockSpec((1, D), lambda i: (0, 0)),
      ],
      out_specs=pl.BlockSpec((BM, 1), lambda i: (i, 0)),
      out_shape=jax.ShapeDtypeStruct((B, 1), jnp.float32),
  )(idx5, blku, blkm, Egp, Eap, Ejp, att_W, b2)


def kernel(uid, gender, age, job, mid, E_uid, E_gender, E_age, E_job, E_mid,
           att_W, att_b):
  Eu2 = _tc_transpose_pack(E_uid.T)
  Em2 = _tc_transpose_pack(E_mid.T)

  def packed_row(i):
    return jnp.bitwise_or(
        jnp.left_shift(jnp.right_shift(i, 12), 11),
        jnp.bitwise_and(i, _TBLK - 1))

  urow = packed_row(uid)
  mrow = packed_row(mid)
  upar = jnp.bitwise_and(jnp.right_shift(uid, 11), 1)
  mpar = jnp.bitwise_and(jnp.right_shift(mid, 11), 1)
  idx5 = jnp.stack([gender, age, job, upar, mpar])
  blku, blkm = _sc_gather_pair(urow, mrow, Eu2, Em2)
  return _tc_dense(idx5, blku, blkm,
                   E_gender, E_age, E_job, att_W, att_b)

# --- scband reference (transcript-rebuilt; emitter-appended) ---
"""Pipeline reference for scband-aanmf-30717606101270 (READ-ONLY COPY).

The authoritative reference and input builder live on the scoring server;
editing this copy changes nothing except your own understanding.
"""

import jax, jax.numpy as jnp
import numpy as np

B = 16384
D = 64
N_UID = 1000000
N_GENDER = 2
N_AGE = 7
N_JOB = 21
N_MID = 100000


def setup_inputs(seed: int = 0) -> dict:
    key = jax.random.key(seed)
    ks = jax.random.split(key, 12)
    uid = jax.random.randint(ks[0], (B,), 0, N_UID, dtype=jnp.int32)
    gender = jax.random.randint(ks[1], (B,), 0, N_GENDER, dtype=jnp.int32)
    age = jax.random.randint(ks[2], (B,), 0, N_AGE, dtype=jnp.int32)
    job = jax.random.randint(ks[3], (B,), 0, N_JOB, dtype=jnp.int32)
    mid = jax.random.randint(ks[4], (B,), 0, N_MID, dtype=jnp.int32)
    E_uid = jax.random.normal(ks[5], (N_UID, D), dtype=jnp.float32) * 0.05
    E_gender = jax.random.normal(ks[6], (N_GENDER, D), dtype=jnp.float32) * 0.05
    E_age = jax.random.normal(ks[7], (N_AGE, D), dtype=jnp.float32) * 0.05
    E_job = jax.random.normal(ks[8], (N_JOB, D), dtype=jnp.float32) * 0.05
    E_mid = jax.random.normal(ks[9], (N_MID, D), dtype=jnp.float32) * 0.05
    att_W = jax.random.normal(ks[10], (2 * D, D), dtype=jnp.float32) * 0.05
    att_b = jnp.zeros((D,), dtype=jnp.float32)
    return {
        'uid': uid, 'gender': gender, 'age': age, 'job': job, 'mid': mid,
        'E_uid': E_uid, 'E_gender': E_gender, 'E_age': E_age, 'E_job': E_job,
        'E_mid': E_mid, 'att_W': att_W, 'att_b': att_b,
    }


def reference(uid, gender, age, job, mid, E_uid, E_gender, E_age, E_job, E_mid, att_W, att_b):
    # embedding lookups (gather)
    e_uid = jnp.take(E_uid, uid, axis=0)
    e_gender = jnp.take(E_gender, gender, axis=0)
    e_age = jnp.take(E_age, age, axis=0)
    e_job = jnp.take(E_job, job, axis=0)
    e_mid = jnp.take(E_mid, mid, axis=0)

    def attention_cell(embed_attribute, embed_item):
        V = jnp.concatenate([embed_item, embed_attribute], axis=1)
        v = V @ att_W + att_b
        return jax.nn.softmax(v, axis=1)

    lambda_g = attention_cell(e_gender, e_mid)
    lambda_a = attention_cell(e_age, e_mid)
    lambda_j = attention_cell(e_job, e_mid)

    att_set = [lambda_g * e_gender, lambda_a * e_age, lambda_j * e_job]
    I_u = jnp.stack(att_set)              # [3, B, D]
    I_u = jnp.transpose(I_u, (1, 0, 2))   # [B, 3, D]
    tilde_a = I_u.sum(axis=1)
    minus_a = jnp.sum(I_u * I_u, axis=1)
    p_u = 0.5 * ((e_uid + tilde_a) * (e_uid + tilde_a) - e_uid * e_uid - minus_a)

    feature_user = p_u
    feature_item = e_mid
    # torch.bmm(feature_user.view(-1,1,D), feature_item.view(-1,D,1)).squeeze(1) -> [B, 1]
    out = jnp.sum(feature_user * feature_item, axis=1, keepdims=True)
    return out

if __name__ == "__main__":
    import jax
    _d = setup_inputs()
    print(jax.jit(kernel)(*tuple(_d.values())))

</pallas_src>

<mosaic_0001>
#map = affine_map<(d0, d1) -> (0)>
#map1 = affine_map<(d0, d1) -> (0, 0)>
module attributes {stable_mosaic.version = 14 : i64} {
  func.func @gather_kernel(%arg0: i32, %arg1: i32, %arg2: memref<16384xi32, #tpu.memory_space<hbm>>, %arg3: memref<16384xi32, #tpu.memory_space<hbm>>, %arg4: memref<501760x128xf32, #tpu.memory_space<hbm>>, %arg5: memref<51200x128xf32, #tpu.memory_space<hbm>>, %arg6: memref<16384x128xf32, #tpu.memory_space<hbm>>, %arg7: memref<16384x128xf32, #tpu.memory_space<hbm>>, %arg8: memref<512xi32, #tpu.memory_space<vmem>>, %arg9: memref<512xi32, #tpu.memory_space<vmem>>, %arg10: memref<512x128xf32, #tpu.memory_space<vmem>>, %arg11: memref<!tpu.dma_semaphore, #tpu.memory_space<semaphore_mem>>, %arg12: memref<!tpu.dma_semaphore, #tpu.memory_space<semaphore_mem>>) attributes {dimension_semantics = [#tpu.dimension_semantics<core_parallel>, #tpu.dimension_semantics<subcore_parallel>], iteration_bounds = array<i64: 2, 16>, scalar_prefetch = 0 : i64, scratch_operands = 5 : i64, tpu.core_type = #tpu.core_type<sc_vector_subcore>, window_params = [{transform_indices = #map}, {transform_indices = #map}, {transform_indices = #map1}, {transform_indices = #map1}, {transform_indices = #map1}, {transform_indices = #map1}]} {
    %mul3A = arith.constant 2 : i32
    %mul3A_0 = arith.muli %arg1, %mul3A : i32
    %add3A = arith.addi %mul3A_0, %arg0 : i32
    %mul3A_1 = arith.constant 512 : i32
    %mul3A_2 = arith.muli %add3A, %mul3A_1 : i32
    "tpu.region"() ({
      %run_scoped3A = tpu.sem_alloc : memref<!tpu.dma_semaphore, #tpu.memory_space<semaphore_mem>>
      %dma_start3A_129 = tpu.memref_slice %arg2[%mul3A_2] : memref<16384xi32, #tpu.memory_space<hbm>> -> memref<512xi32, #tpu.memory_space<hbm>>
      %dma_start3A_130 = tpu.memref_slice %arg2[%mul3A_2] : memref<16384xi32, #tpu.memory_space<hbm>> -> memref<512xi32, #tpu.memory_space<hbm>>
      tpu.enqueue_dma source(%dma_start3A_130 : memref<512xi32, #tpu.memory_space<hbm>>) target(%arg8 : memref<512xi32, #tpu.memory_space<vmem>>) target_semaphore(%run_scoped3A : memref<!tpu.dma_semaphore, #tpu.memory_space<semaphore_mem>>)
      %dma_wait3A_131 = tpu.memref_slice %arg2[%mul3A_2] : memref<16384xi32, #tpu.memory_space<hbm>> -> memref<512xi32, #tpu.memory_space<hbm>>
      %dma_wait3A_132 = tpu.memref_slice %arg2[%mul3A_2] : memref<16384xi32, #tpu.memory_space<hbm>> -> memref<512xi32, #tpu.memory_space<hbm>>
      tpu.wait_dma2 semaphore(%run_scoped3A : memref<!tpu.dma_semaphore, #tpu.memory_space<semaphore_mem>>) src(%dma_wait3A_132 : memref<512xi32, #tpu.memory_space<hbm>>) dst(%arg8 : memref<512xi32, #tpu.memory_space<vmem>>)
      tpu.yield
    }) : () -> ()
    "tpu.region"() ({
      %run_scoped3A = tpu.sem_alloc : memref<!tpu.dma_semaphore, #tpu.memory_space<semaphore_mem>>
      %dma_start3A_129 = tpu.memref_slice %arg3[%mul3A_2] : memref<16384xi32, #tpu.memory_space<hbm>> -> memref<512xi32, #tpu.memory_space<hbm>>
      %dma_start3A_130 = tpu.memref_slice %arg3[%mul3A_2] : memref<16384xi32, #tpu.memory_space<hbm>> -> memref<512xi32, #tpu.memory_space<hbm>>
      tpu.enqueue_dma source(%dma_start3A_130 : memref<512xi32, #tpu.memory_space<hbm>>) target(%arg9 : memref<512xi32, #tpu.memory_space<vmem>>) target_semaphore(%run_scoped3A : memref<!tpu.dma_semaphore, #tpu.memory_space<semaphore_mem>>)
      %dma_wait3A_131 = tpu.memref_slice %arg3[%mul3A_2] : memref<16384xi32, #tpu.memory_space<hbm>> -> memref<512xi32, #tpu.memory_space<hbm>>
      %dma_wait3A_132 = tpu.memref_slice %arg3[%mul3A_2] : memref<16384xi32, #tpu.memory_space<hbm>> -> memref<512xi32, #tpu.memory_space<hbm>>
      tpu.wait_dma2 semaphore(%run_scoped3A : memref<!tpu.dma_semaphore, #tpu.memory_space<semaphore_mem>>) src(%dma_wait3A_132 : memref<512xi32, #tpu.memory_space<hbm>>) dst(%arg9 : memref<512xi32, #tpu.memory_space<vmem>>)
      tpu.yield
    }) : () -> ()
    %dma_start3A = arith.constant 0 : i32
    %dma_start3A_3 = arith.constant 0 : i32
    %dma_start3A_4 = tpu.memref_slice %arg10[%dma_start3A, %dma_start3A_3] : memref<512x128xf32, #tpu.memory_space<vmem>> -> memref<128x128xf32, #tpu.memory_space<vmem>>
    %dma_start3A_5 = arith.constant 0 : i32
    %dma_start3A_6 = tpu.memref_slice %arg8[%dma_start3A_5] : memref<512xi32, #tpu.memory_space<vmem>> -> memref<128xi32, #tpu.memory_space<vmem>>
    %dma_start3A_7 = arith.constant 0 : i32
    %dma_start3A_8 = arith.constant 0 : i32
    %dma_start3A_9 = tpu.memref_slice %arg4[%dma_start3A_7, %dma_start3A_8] : memref<501760x128xf32, #tpu.memory_space<hbm>> -> memref<501760x128xf32, #tpu.memory_space<hbm>>
    tpu.enqueue_indirect_dma source(%dma_start3A_9 : memref<501760x128xf32, #tpu.memory_space<hbm>>) target(%dma_start3A_4 : memref<128x128xf32, #tpu.memory_space<vmem>>) offsets(%dma_start3A_6 : memref<128xi32, #tpu.memory_space<vmem>>) semaphore(%arg11 : memref<!tpu.dma_semaphore, #tpu.memory_space<semaphore_mem>>)
    %dma_start3A_10 = arith.constant 128 : i32
    %dma_start3A_11 = arith.constant 0 : i32
    %dma_start3A_12 = tpu.memref_slice %arg10[%dma_start3A_10, %dma_start3A_11] : memref<512x128xf32, #tpu.memory_space<vmem>> -> memref<128x128xf32, #tpu.memory_space<vmem>>
    %dma_start3A_13 = arith.constant 128 : i32
    %dma_start3A_14 = tpu.memref_slice %arg8[%dma_start3A_13] : memref<512xi32, #tpu.memory_space<vmem>> -> memref<128xi32, #tpu.memory_space<vmem>>
    %dma_start3A_15 = arith.constant 0 : i32
    %dma_start3A_16 = arith.constant 0 : i32
    %dma_start3A_17 = tpu.memref_slice %arg4[%dma_start3A_15, %dma_start3A_16] : memref<501760x128xf32, #tpu.memory_space<hbm>> -> memref<501760x128xf32, #tpu.memory_space<hbm>>
    tpu.enqueue_indirect_dma source(%dma_start3A_17 : memref<501760x128xf32, #tpu.memory_space<hbm>>) target(%dma_start3A_12 : memref<128x128xf32, #tpu.memory_space<vmem>>) offsets(%dma_start3A_14 : memref<128xi32, #tpu.memory_space<vmem>>) semaphore(%arg11 : memref<!tpu.dma_semaphore, #tpu.memory_space<semaphore_mem>>)
    %dma_start3A_18 = arith.constant 256 : i32
    %dma_start3A_19 = arith.constant 0 : i32
    %dma_start3A_20 = tpu.memref_slice %arg10[%dma_start3A_18, %dma_start3A_19] : memref<512x128xf32, #tpu.memory_space<vmem>> -> memref<128x128xf32, #tpu.memory_space<vmem>>
    %dma_start3A_21 = arith.constant 256 : i32
    %dma_start3A_22 = tpu.memref_slice %arg8[%dma_start3A_21] : memref<512xi32, #tpu.memory_space<vmem>> -> memref<128xi32, #tpu.memory_space<vmem>>
    %dma_start3A_23 = arith.constant 0 : i32
    %dma_start3A_24 = arith.constant 0 : i32
    %dma_start3A_25 = tpu.memref_slice %arg4[%dma_start3A_23, %dma_start3A_24] : memref<501760x128xf32, #tpu.memory_space<hbm>> -> memref<501760x128xf32, #tpu.memory_space<hbm>>
    tpu.enqueue_indirect_dma source(%dma_start3A_25 : memref<501760x128xf32, #tpu.memory_space<hbm>>) target(%dma_start3A_20 : memref<128x128xf32, #tpu.memory_space<vmem>>) offsets(%dma_start3A_22 : memref<128xi32, #tpu.memory_space<vmem>>) semaphore(%arg11 : memref<!tpu.dma_semaphore, #tpu.memory_space<semaphore_mem>>)
    %dma_start3A_26 = arith.constant 384 : i32
    %dma_start3A_27 = arith.constant 0 : i32
    %dma_start3A_28 = tpu.memref_slice %arg10[%dma_start3A_26, %dma_start3A_27] : memref<512x128xf32, #tpu.memory_space<vmem>> -> memref<128x128xf32, #tpu.memory_space<vmem>>
    %dma_start3A_29 = arith.constant 384 : i32
    %dma_start3A_30 = tpu.memref_slice %arg8[%dma_start3A_29] : memref<512xi32, #tpu.memory_space<vmem>> -> memref<128xi32, #tpu.memory_space<vmem>>
    %dma_start3A_31 = arith.constant 0 : i32
    %dma_start3A_32 = arith.constant 0 : i32
    %dma_start3A_33 = tpu.memref_slice %arg4[%dma_start3A_31, %dma_start3A_32] : memref<501760x128xf32, #tpu.memory_space<hbm>> -> memref<501760x128xf32, #tpu.memory_space<hbm>>
    tpu.enqueue_indirect_dma source(%dma_start3A_33 : memref<501760x128xf32, #tpu.memory_space<hbm>>) target(%dma_start3A_28 : memref<128x128xf32, #tpu.memory_space<vmem>>) offsets(%dma_start3A_30 : memref<128xi32, #tpu.memory_space<vmem>>) semaphore(%arg11 : memref<!tpu.dma_semaphore, #tpu.memory_space<semaphore_mem>>)
    %dma_wait3A = arith.constant 0 : i32
    %dma_wait3A_34 = arith.constant 0 : i32
    %dma_wait3A_35 = tpu.memref_slice %arg10[%dma_wait3A, %dma_wait3A_34] : memref<512x128xf32, #tpu.memory_space<vmem>> -> memref<128x128xf32, #tpu.memory_space<vmem>>
    %dma_wait3A_36 = arith.constant 0 : i32
    %dma_wait3A_37 = tpu.memref_slice %arg8[%dma_wait3A_36] : memref<512xi32, #tpu.memory_space<vmem>> -> memref<128xi32, #tpu.memory_space<vmem>>
    %dma_wait3A_38 = arith.constant 0 : i32
    %dma_wait3A_39 = arith.constant 0 : i32
    %dma_wait3A_40 = tpu.memref_slice %arg4[%dma_wait3A_38, %dma_wait3A_39] : memref<501760x128xf32, #tpu.memory_space<hbm>> -> memref<501760x128xf32, #tpu.memory_space<hbm>>
    tpu.wait_indirect_dma semaphore(%arg11 : memref<!tpu.dma_semaphore, #tpu.memory_space<semaphore_mem>>) src(%dma_wait3A_40 : memref<501760x128xf32, #tpu.memory_space<hbm>>) dst(%dma_wait3A_35 : memref<128x128xf32, #tpu.memory_space<vmem>>)
    %dma_wait3A_41 = arith.constant 128 : i32
    %dma_wait3A_42 = arith.constant 0 : i32
    %dma_wait3A_43 = tpu.memref_slice %arg10[%dma_wait3A_41, %dma_wait3A_42] : memref<512x128xf32, #tpu.memory_space<vmem>> -> memref<128x128xf32, #tpu.memory_space<vmem>>
    %dma_wait3A_44 = arith.constant 128 : i32
    %dma_wait3A_45 = tpu.memref_slice %arg8[%dma_wait3A_44] : memref<512xi32, #tpu.memory_space<vmem>> -> memref<128xi32, #tpu.memory_space<vmem>>
    %dma_wait3A_46 = arith.constant 0 : i32
    %dma_wait3A_47 = arith.constant 0 : i32
    %dma_wait3A_48 = tpu.memref_slice %arg4[%dma_wait3A_46, %dma_wait3A_47] : memref<501760x128xf32, #tpu.memory_space<hbm>> -> memref<501760x128xf32, #tpu.memory_space<hbm>>
    tpu.wait_indirect_dma semaphore(%arg11 : memref<!tpu.dma_semaphore, #tpu.memory_space<semaphore_mem>>) src(%dma_wait3A_48 : memref<501760x128xf32, #tpu.memory_space<hbm>>) dst(%dma_wait3A_43 : memref<128x128xf32, #tpu.memory_space<vmem>>)
    %dma_wait3A_49 = arith.constant 256 : i32
    %dma_wait3A_50 = arith.constant 0 : i32
    %dma_wait3A_51 = tpu.memref_slice %arg10[%dma_wait3A_49, %dma_wait3A_50] : memref<512x128xf32, #tpu.memory_space<vmem>> -> memref<128x128xf32, #tpu.memory_space<vmem>>
    %dma_wait3A_52 = arith.constant 256 : i32
    %dma_wait3A_53 = tpu.memref_slice %arg8[%dma_wait3A_52] : memref<512xi32, #tpu.memory_space<vmem>> -> memref<128xi32, #tpu.memory_space<vmem>>
    %dma_wait3A_54 = arith.constant 0 : i32
    %dma_wait3A_55 = arith.constant 0 : i32
    %dma_wait3A_56 = tpu.memref_slice %arg4[%dma_wait3A_54, %dma_wait3A_55] : memref<501760x128xf32, #tpu.memory_space<hbm>> -> memref<501760x128xf32, #tpu.memory_space<hbm>>
    tpu.wait_indirect_dma semaphore(%arg11 : memref<!tpu.dma_semaphore, #tpu.memory_space<semaphore_mem>>) src(%dma_wait3A_56 : memref<501760x128xf32, #tpu.memory_space<hbm>>) dst(%dma_wait3A_51 : memref<128x128xf32, #tpu.memory_space<vmem>>)
    %dma_wait3A_57 = arith.constant 384 : i32
    %dma_wait3A_58 = arith.constant 0 : i32
    %dma_wait3A_59 = tpu.memref_slice %arg10[%dma_wait3A_57, %dma_wait3A_58] : memref<512x128xf32, #tpu.memory_space<vmem>> -> memref<128x128xf32, #tpu.memory_space<vmem>>
    %dma_wait3A_60 = arith.constant 384 : i32
    %dma_wait3A_61 = tpu.memref_slice %arg8[%dma_wait3A_60] : memref<512xi32, #tpu.memory_space<vmem>> -> memref<128xi32, #tpu.memory_space<vmem>>
    %dma_wait3A_62 = arith.constant 0 : i32
    %dma_wait3A_63 = arith.constant 0 : i32
    %dma_wait3A_64 = tpu.memref_slice %arg4[%dma_wait3A_62, %dma_wait3A_63] : memref<501760x128xf32, #tpu.memory_space<hbm>> -> memref<501760x128xf32, #tpu.memory_space<hbm>>
    tpu.wait_indirect_dma semaphore(%arg11 : memref<!tpu.dma_semaphore, #tpu.memory_space<semaphore_mem>>) src(%dma_wait3A_64 : memref<501760x128xf32, #tpu.memory_space<hbm>>) dst(%dma_wait3A_59 : memref<128x128xf32, #tpu.memory_space<vmem>>)
    "tpu.region"() ({
      %run_scoped3A = tpu.sem_alloc : memref<!tpu.dma_semaphore, #tpu.memory_space<semaphore_mem>>
      %dma_start3A_129 = arith.constant 0 : i32
      %dma_start3A_130 = tpu.memref_slice %arg6[%mul3A_2, %dma_start3A_129] : memref<16384x128xf32, #tpu.memory_space<hbm>> -> memref<512x128xf32, #tpu.memory_space<hbm>>
      %dma_start3A_131 = arith.constant 0 : i32
      %dma_start3A_132 = tpu.memref_slice %arg6[%mul3A_2, %dma_start3A_131] : memref<16384x128xf32, #tpu.memory_space<hbm>> -> memref<512x128xf32, #tpu.memory_space<hbm>>
      tpu.enqueue_dma source(%arg10 : memref<512x128xf32, #tpu.memory_space<vmem>>) target(%dma_start3A_132 : memref<512x128xf32, #tpu.memory_space<hbm>>) target_semaphore(%run_scoped3A : memref<!tpu.dma_semaphore, #tpu.memory_space<semaphore_mem>>)
      %dma_wait3A_133 = arith.constant 0 : i32
      %dma_wait3A_134 = tpu.memref_slice %arg6[%mul3A_2, %dma_wait3A_133] : memref<16384x128xf32, #tpu.memory_space<hbm>> -> memref<512x128xf32, #tpu.memory_space<hbm>>
      %dma_wait3A_135 = arith.constant 0 : i32
      %dma_wait3A_136 = tpu.memref_slice %arg6[%mul3A_2, %dma_wait3A_135] : memref<16384x128xf32, #tpu.memory_space<hbm>> -> memref<512x128xf32, #tpu.memory_space<hbm>>
      tpu.wait_dma2 semaphore(%run_scoped3A : memref<!tpu.dma_semaphore, #tpu.memory_space<semaphore_mem>>) src(%arg10 : memref<512x128xf32, #tpu.memory_space<vmem>>) dst(%dma_wait3A_136 : memref<512x128xf32, #tpu.memory_space<hbm>>)
      tpu.yield
    }) : () -> ()
    %dma_start3A_65 = arith.constant 0 : i32
    %dma_start3A_66 = arith.constant 0 : i32
    %dma_start3A_67 = tpu.memref_slice %arg10[%dma_start3A_65, %dma_start3A_66] : memref<512x128xf32, #tpu.memory_space<vmem>> -> memref<128x128xf32, #tpu.memory_space<vmem>>
    %dma_start3A_68 = arith.constant 0 : i32
    %dma_start3A_69 = tpu.memref_slice %arg9[%dma_start3A_68] : memref<512xi32, #tpu.memory_space<vmem>> -> memref<128xi32, #tpu.memory_space<vmem>>
    %dma_start3A_70 = arith.constant 0 : i32
    %dma_start3A_71 = arith.constant 0 : i32
    %dma_start3A_72 = tpu.memref_slice %arg5[%dma_start3A_70, %dma_start3A_71] : memref<51200x128xf32, #tpu.memory_space<hbm>> -> memref<51200x128xf32, #tpu.memory_space<hbm>>
    tpu.enqueue_indirect_dma source(%dma_start3A_72 : memref<51200x128xf32, #tpu.memory_space<hbm>>) target(%dma_start3A_67 : memref<128x128xf32, #tpu.memory_space<vmem>>) offsets(%dma_start3A_69 : memref<128xi32, #tpu.memory_space<vmem>>) semaphore(%arg12 : memref<!tpu.dma_semaphore, #tpu.memory_space<semaphore_mem>>)
    %dma_start3A_73 = arith.constant 128 : i32
    %dma_start3A_74 = arith.constant 0 : i32
    %dma_start3A_75 = tpu.memref_slice %arg10[%dma_start3A_73, %dma_start3A_74] : memref<512x128xf32, #tpu.memory_space<vmem>> -> memref<128x128xf32, #tpu.memory_space<vmem>>
    %dma_start3A_76 = arith.constant 128 : i32
    %dma_start3A_77 = tpu.memref_slice %arg9[%dma_start3A_76] : memref<512xi32, #tpu.memory_space<vmem>> -> memref<128xi32, #tpu.memory_space<vmem>>
    %dma_start3A_78 = arith.constant 0 : i32
    %dma_start3A_79 = arith.constant 0 : i32
    %dma_start3A_80 = tpu.memref_slice %arg5[%dma_start3A_78, %dma_start3A_79] : memref<51200x128xf32, #tpu.memory_space<hbm>> -> memref<51200x128xf32, #tpu.memory_space<hbm>>
    tpu.enqueue_indirect_dma source(%dma_start3A_80 : memref<51200x128xf32, #tpu.memory_space<hbm>>) target(%dma_start3A_75 : memref<128x128xf32, #tpu.memory_space<vmem>>) offsets(%dma_start3A_77 : memref<128xi32, #tpu.memory_space<vmem>>) semaphore(%arg12 : memref<!tpu.dma_semaphore, #tpu.memory_space<semaphore_mem>>)
    %dma_start3A_81 = arith.constant 256 : i32
    %dma_start3A_82 = arith.constant 0 : i32
    %dma_start3A_83 = tpu.memref_slice %arg10[%dma_start3A_81, %dma_start3A_82] : memref<512x128xf32, #tpu.memory_space<vmem>> -> memref<128x128xf32, #tpu.memory_space<vmem>>
    %dma_start3A_84 = arith.constant 256 : i32
    %dma_start3A_85 = tpu.memref_slice %arg9[%dma_start3A_84] : memref<512xi32, #tpu.memory_space<vmem>> -> memref<128xi32, #tpu.memory_space<vmem>>
    %dma_start3A_86 = arith.constant 0 : i32
    %dma_start3A_87 = arith.constant 0 : i32
    %dma_start3A_88 = tpu.memref_slice %arg5[%dma_start3A_86, %dma_start3A_87] : memref<51200x128xf32, #tpu.memory_space<hbm>> -> memref<51200x128xf32, #tpu.memory_space<hbm>>
    tpu.enqueue_indirect_dma source(%dma_start3A_88 : memref<51200x128xf32, #tpu.memory_space<hbm>>) target(%dma_start3A_83 : memref<128x128xf32, #tpu.memory_space<vmem>>) offsets(%dma_start3A_85 : memref<128xi32, #tpu.memory_space<vmem>>) semaphore(%arg12 : memref<!tpu.dma_semaphore, #tpu.memory_space<semaphore_mem>>)
    %dma_start3A_89 = arith.constant 384 : i32
    %dma_start3A_90 = arith.constant 0 : i32
    %dma_start3A_91 = tpu.memref_slice %arg10[%dma_start3A_89, %dma_start3A_90] : memref<512x128xf32, #tpu.memory_space<vmem>> -> memref<128x128xf32, #tpu.memory_space<vmem>>
    %dma_start3A_92 = arith.constant 384 : i32
    %dma_start3A_93 = tpu.memref_slice %arg9[%dma_start3A_92] : memref<512xi32, #tpu.memory_space<vmem>> -> memref<128xi32, #tpu.memory_space<vmem>>
    %dma_start3A_94 = arith.constant 0 : i32
    %dma_start3A_95 = arith.constant 0 : i32
    %dma_start3A_96 = tpu.memref_slice %arg5[%dma_start3A_94, %dma_start3A_95] : memref<51200x128xf32, #tpu.memory_space<hbm>> -> memref<51200x128xf32, #tpu.memory_space<hbm>>
    tpu.enqueue_indirect_dma source(%dma_start3A_96 : memref<51200x128xf32, #tpu.memory_space<hbm>>) target(%dma_start3A_91 : memref<128x128xf32, #tpu.memory_space<vmem>>) offsets(%dma_start3A_93 : memref<128xi32, #tpu.memory_space<vmem>>) semaphore(%arg12 : memref<!tpu.dma_semaphore, #tpu.memory_space<semaphore_mem>>)
    %dma_wait3A_97 = arith.constant 0 : i32
    %dma_wait3A_98 = arith.constant 0 : i32
    %dma_wait3A_99 = tpu.memref_slice %arg10[%dma_wait3A_97, %dma_wait3A_98] : memref<512x128xf32, #tpu.memory_space<vmem>> -> memref<128x128xf32, #tpu.memory_space<vmem>>
    %dma_wait3A_100 = arith.constant 0 : i32
    %dma_wait3A_101 = tpu.memref_slice %arg9[%dma_wait3A_100] : memref<512xi32, #tpu.memory_space<vmem>> -> memref<128xi32, #tpu.memory_space<vmem>>
    %dma_wait3A_102 = arith.constant 0 : i32
    %dma_wait3A_103 = arith.constant 0 : i32
    %dma_wait3A_104 = tpu.memref_slice %arg5[%dma_wait3A_102, %dma_wait3A_103] : memref<51200x128xf32, #tpu.memory_space<hbm>> -> memref<51200x128xf32, #tpu.memory_space<hbm>>
    tpu.wait_indirect_dma semaphore(%arg12 : memref<!tpu.dma_semaphore, #tpu.memory_space<semaphore_mem>>) src(%dma_wait3A_104 : memref<51200x128xf32, #tpu.memory_space<hbm>>) dst(%dma_wait3A_99 : memref<128x128xf32, #tpu.memory_space<vmem>>)
    %dma_wait3A_105 = arith.constant 128 : i32
    %dma_wait3A_106 = arith.constant 0 : i32
    %dma_wait3A_107 = tpu.memref_slice %arg10[%dma_wait3A_105, %dma_wait3A_106] : memref<512x128xf32, #tpu.memory_space<vmem>> -> memref<128x128xf32, #tpu.memory_space<vmem>>
    %dma_wait3A_108 = arith.constant 128 : i32
    %dma_wait3A_109 = tpu.memref_slice %arg9[%dma_wait3A_108] : memref<512xi32, #tpu.memory_space<vmem>> -> memref<128xi32, #tpu.memory_space<vmem>>
    %dma_wait3A_110 = arith.constant 0 : i32
    %dma_wait3A_111 = arith.constant 0 : i32
    %dma_wait3A_112 = tpu.memref_slice %arg5[%dma_wait3A_110, %dma_wait3A_111] : memref<51200x128xf32, #tpu.memory_space<hbm>> -> memref<51200x128xf32, #tpu.memory_space<hbm>>
    tpu.wait_indirect_dma semaphore(%arg12 : memref<!tpu.dma_semaphore, #tpu.memory_space<semaphore_mem>>) src(%dma_wait3A_112 : memref<51200x128xf32, #tpu.memory_space<hbm>>) dst(%dma_wait3A_107 : memref<128x128xf32, #tpu.memory_space<vmem>>)
    %dma_wait3A_113 = arith.constant 256 : i32
    %dma_wait3A_114 = arith.constant 0 : i32
    %dma_wait3A_115 = tpu.memref_slice %arg10[%dma_wait3A_113, %dma_wait3A_114] : memref<512x128xf32, #tpu.memory_space<vmem>> -> memref<128x128xf32, #tpu.memory_space<vmem>>
    %dma_wait3A_116 = arith.constant 256 : i32
    %dma_wait3A_117 = tpu.memref_slice %arg9[%dma_wait3A_116] : memref<512xi32, #tpu.memory_space<vmem>> -> memref<128xi32, #tpu.memory_space<vmem>>
    %dma_wait3A_118 = arith.constant 0 : i32
    %dma_wait3A_119 = arith.constant 0 : i32
    %dma_wait3A_120 = tpu.memref_slice %arg5[%dma_wait3A_118, %dma_wait3A_119] : memref<51200x128xf32, #tpu.memory_space<hbm>> -> memref<51200x128xf32, #tpu.memory_space<hbm>>
    tpu.wait_indirect_dma semaphore(%arg12 : memref<!tpu.dma_semaphore, #tpu.memory_space<semaphore_mem>>) src(%dma_wait3A_120 : memref<51200x128xf32, #tpu.memory_space<hbm>>) dst(%dma_wait3A_115 : memref<128x128xf32, #tpu.memory_space<vmem>>)
    %dma_wait3A_121 = arith.constant 384 : i32
    %dma_wait3A_122 = arith.constant 0 : i32
    %dma_wait3A_123 = tpu.memref_slice %arg10[%dma_wait3A_121, %dma_wait3A_122] : memref<512x128xf32, #tpu.memory_space<vmem>> -> memref<128x128xf32, #tpu.memory_space<vmem>>
    %dma_wait3A_124 = arith.constant 384 : i32
    %dma_wait3A_125 = tpu.memref_slice %arg9[%dma_wait3A_124] : memref<512xi32, #tpu.memory_space<vmem>> -> memref<128xi32, #tpu.memory_space<vmem>>
    %dma_wait3A_126 = arith.constant 0 : i32
    %dma_wait3A_127 = arith.constant 0 : i32
    %dma_wait3A_128 = tpu.memref_slice %arg5[%dma_wait3A_126, %dma_wait3A_127] : memref<51200x128xf32, #tpu.memory_space<hbm>> -> memref<51200x128xf32, #tpu.memory_space<hbm>>
    tpu.wait_indirect_dma semaphore(%arg12 : memref<!tpu.dma_semaphore, #tpu.memory_space<semaphore_mem>>) src(%dma_wait3A_128 : memref<51200x128xf32, #tpu.memory_space<hbm>>) dst(%dma_wait3A_123 : memref<128x128xf32, #tpu.memory_space<vmem>>)
    "tpu.region"() ({
      %run_scoped3A = tpu.sem_alloc : memref<!tpu.dma_semaphore, #tpu.memory_space<semaphore_mem>>
      %dma_start3A_129 = arith.constant 0 : i32
      %dma_start3A_130 = tpu.memref_slice %arg7[%mul3A_2, %dma_start3A_129] : memref<16384x128xf32, #tpu.memory_space<hbm>> -> memref<512x128xf32, #tpu.memory_space<hbm>>
      %dma_start3A_131 = arith.constant 0 : i32
      %dma_start3A_132 = tpu.memref_slice %arg7[%mul3A_2, %dma_start3A_131] : memref<16384x128xf32, #tpu.memory_space<hbm>> -> memref<512x128xf32, #tpu.memory_space<hbm>>
      tpu.enqueue_dma source(%arg10 : memref<512x128xf32, #tpu.memory_space<vmem>>) target(%dma_start3A_132 : memref<512x128xf32, #tpu.memory_space<hbm>>) target_semaphore(%run_scoped3A : memref<!tpu.dma_semaphore, #tpu.memory_space<semaphore_mem>>)
      %dma_wait3A_133 = arith.constant 0 : i32
      %dma_wait3A_134 = tpu.memref_slice %arg7[%mul3A_2, %dma_wait3A_133] : memref<16384x128xf32, #tpu.memory_space<hbm>> -> memref<512x128xf32, #tpu.memory_space<hbm>>
      %dma_wait3A_135 = arith.constant 0 : i32
      %dma_wait3A_136 = tpu.memref_slice %arg7[%mul3A_2, %dma_wait3A_135] : memref<16384x128xf32, #tpu.memory_space<hbm>> -> memref<512x128xf32, #tpu.memory_space<hbm>>
      tpu.wait_dma2 semaphore(%run_scoped3A : memref<!tpu.dma_semaphore, #tpu.memory_space<semaphore_mem>>) src(%arg10 : memref<512x128xf32, #tpu.memory_space<vmem>>) dst(%dma_wait3A_136 : memref<512x128xf32, #tpu.memory_space<hbm>>)
      tpu.yield
    }) : () -> ()
    return
  }
}

module attributes {stable_mosaic.version = 14 : i64} {
  func.func @body(%arg0: i32, %arg1: memref<64x2048xf32, #tpu.memory_space<vmem>>, %arg2: memref<64x2048xf32, #tpu.memory_space<vmem>>, %arg3: memref<2048x128xf32, #tpu.memory_space<vmem>>) attributes {dimension_semantics = [#tpu.dimension_semantics<arbitrary>], iteration_bounds = array<i64: 245>, scalar_prefetch = 0 : i64, scratch_operands = 0 : i64, tpu.core_type = #tpu.core_type<tc>, window_params = [{transform_indices = @transform_0, window_bounds = array<i64: 64, 2048>}, {transform_indices = @transform_1, window_bounds = array<i64: 64, 2048>}, {transform_indices = @transform_2, window_bounds = array<i64: 2048, 128>}]} {
    %iota3A = tpu.iota {dimensions = array<i32: 0>} : vector<64x64xi32>
    %iota3A_0 = tpu.iota {dimensions = array<i32: 1>} : vector<64x64xi32>
    %eq3A = arith.cmpi eq, %iota3A, %iota3A_0 : vector<64x64xi32>
    %convert_element_type3A = arith.extui %eq3A : vector<64x64xi1> to vector<64x64xi32>
    %convert_element_type3A_1 = arith.sitofp %convert_element_type3A : vector<64x64xi32> to vector<64x64xf32>
    %get3A = arith.constant 0 : index
    %get3A_2 = arith.constant 0 : index
    %get3A_3 = vector.load %arg1[%get3A, %get3A_2] : memref<64x2048xf32, #tpu.memory_space<vmem>>, vector<64x2048xf32>
    %dot_general3A = arith.constant dense<0.000000e+00> : vector<2048x64xf32>
    %dot_general3A_4 = tpu.matmul %get3A_3, %convert_element_type3A_1, %dot_general3A {dimension_numbers = #tpu.dot_dimension_numbers<[0], [0], [1], [1], [0, 1, 1, 1], [], []>, transpose_lhs_hint = false} : vector<64x2048xf32>, vector<64x64xf32>, vector<2048x64xf32> -> vector<2048x64xf32>
    %get3A_5 = arith.constant 0 : index
    %get3A_6 = arith.constant 0 : index
    %get3A_7 = vector.load %arg2[%get3A_5, %get3A_6] : memref<64x2048xf32, #tpu.memory_space<vmem>>, vector<64x2048xf32>
    %dot_general3A_8 = arith.constant dense<0.000000e+00> : vector<2048x64xf32>
    %dot_general3A_9 = tpu.matmul %get3A_7, %convert_element_type3A_1, %dot_general3A_8 {dimension_numbers = #tpu.dot_dimension_numbers<[0], [0], [1], [1], [0, 1, 1, 1], [], []>, transpose_lhs_hint = false} : vector<64x2048xf32>, vector<64x64xf32>, vector<2048x64xf32> -> vector<2048x64xf32>
    %concatenate3A = tpu.concatenate %dot_general3A_4, %dot_general3A_9 in 1 : vector<2048x64xf32>, vector<2048x64xf32> -> vector<2048x128xf32>
    %swap3A = arith.constant 0 : index
    %swap3A_10 = arith.constant 0 : index
    %swap3A_11 = vector.load %arg3[%swap3A, %swap3A_10] : memref<2048x128xf32, #tpu.memory_space<vmem>>, vector<2048x128xf32>
    tpu.vector_store %arg3[%swap3A, %swap3A_10], %concatenate3A {strides = array<i32>} : memref<2048x128xf32, #tpu.memory_space<vmem>>, vector<2048x128xf32>,
    return
  }
  func.func @transform_0(%arg0: i32) -> (i32, i32) {
    %mul3A = arith.constant 2 : i32
    %mul3A_0 = arith.muli %mul3A, %arg0 : i32
    %min3A = arith.constant 488 : i32
    %min3A_1 = arith.minsi %mul3A_0, %min3A : i32
    %c0_i32 = arith.constant 0 : i32
    %c0_i32_2 = arith.constant 0 : i32
    return %c0_i32, %min3A_1 : i32, i32
  }
  func.func @transform_1(%arg0: i32) -> (i32, i32) {
    %mul3A = arith.constant 2 : i32
    %mul3A_0 = arith.muli %mul3A, %arg0 : i32
    %add3A = arith.constant 1 : i32
    %add3A_1 = arith.addi %mul3A_0, %add3A : i32
    %min3A = arith.constant 488 : i32
    %min3A_2 = arith.minsi %add3A_1, %min3A : i32
    %c0_i32 = arith.constant 0 : i32
    %c0_i32_3 = arith.constant 0 : i32
    return %c0_i32, %min3A_2 : i32, i32
  }
  func.func @transform_2(%arg0: i32) -> (i32, i32) {
    %c0_i32 = arith.constant 0 : i32
    %c0_i32_0 = arith.constant 0 : i32
    return %arg0, %c0_i32 : i32, i32
  }
}

module attributes {stable_mosaic.version = 14 : i64} {
  func.func @body(%arg0: i32, %arg1: memref<64x2048xf32, #tpu.memory_space<vmem>>, %arg2: memref<64x2048xf32, #tpu.memory_space<vmem>>, %arg3: memref<2048x128xf32, #tpu.memory_space<vmem>>) attributes {dimension_semantics = [#tpu.dimension_semantics<arbitrary>], iteration_bounds = array<i64: 25>, scalar_prefetch = 0 : i64, scratch_operands = 0 : i64, tpu.core_type = #tpu.core_type<tc>, window_params = [{transform_indices = @transform_0, window_bounds = array<i64: 64, 2048>}, {transform_indices = @transform_1, window_bounds = array<i64: 64, 2048>}, {transform_indices = @transform_2, window_bounds = array<i64: 2048, 128>}]} {
    %iota3A = tpu.iota {dimensions = array<i32: 0>} : vector<64x64xi32>
    %iota3A_0 = tpu.iota {dimensions = array<i32: 1>} : vector<64x64xi32>
    %eq3A = arith.cmpi eq, %iota3A, %iota3A_0 : vector<64x64xi32>
    %convert_element_type3A = arith.extui %eq3A : vector<64x64xi1> to vector<64x64xi32>
    %convert_element_type3A_1 = arith.sitofp %convert_element_type3A : vector<64x64xi32> to vector<64x64xf32>
    %get3A = arith.constant 0 : index
    %get3A_2 = arith.constant 0 : index
    %get3A_3 = vector.load %arg1[%get3A, %get3A_2] : memref<64x2048xf32, #tpu.memory_space<vmem>>, vector<64x2048xf32>
    %dot_general3A = arith.constant dense<0.000000e+00> : vector<2048x64xf32>
    %dot_general3A_4 = tpu.matmul %get3A_3, %convert_element_type3A_1, %dot_general3A {dimension_numbers = #tpu.dot_dimension_numbers<[0], [0], [1], [1], [0, 1, 1, 1], [], []>, transpose_lhs_hint = false} : vector<64x2048xf32>, vector<64x64xf32>, vector<2048x64xf32> -> vector<2048x64xf32>
    %get3A_5 = arith.constant 0 : index
    %get3A_6 = arith.constant 0 : index
    %get3A_7 = vector.load %arg2[%get3A_5, %get3A_6] : memref<64x2048xf32, #tpu.memory_space<vmem>>, vector<64x2048xf32>
    %dot_general3A_8 = arith.constant dense<0.000000e+00> : vector<2048x64xf32>
    %dot_general3A_9 = tpu.matmul %get3A_7, %convert_element_type3A_1, %dot_general3A_8 {dimension_numbers = #tpu.dot_dimension_numbers<[0], [0], [1], [1], [0, 1, 1, 1], [], []>, transpose_lhs_hint = false} : vector<64x2048xf32>, vector<64x64xf32>, vector<2048x64xf32> -> vector<2048x64xf32>
    %concatenate3A = tpu.concatenate %dot_general3A_4, %dot_general3A_9 in 1 : vector<2048x64xf32>, vector<2048x64xf32> -> vector<2048x128xf32>
    %swap3A = arith.constant 0 : index
    %swap3A_10 = arith.constant 0 : index
    %swap3A_11 = vector.load %arg3[%swap3A, %swap3A_10] : memref<2048x128xf32, #tpu.memory_space<vmem>>, vector<2048x128xf32>
    tpu.vector_store %arg3[%swap3A, %swap3A_10], %concatenate3A {strides = array<i32>} : memref<2048x128xf32, #tpu.memory_space<vmem>>, vector<2048x128xf32>,
    return
  }
  func.func @transform_0(%arg0: i32) -> (i32, i32) {
    %mul3A = arith.constant 2 : i32
    %mul3A_0 = arith.muli %mul3A, %arg0 : i32
    %min3A = arith.constant 48 : i32
    %min3A_1 = arith.minsi %mul3A_0, %min3A : i32
    %c0_i32 = arith.constant 0 : i32
    %c0_i32_2 = arith.constant 0 : i32
    return %c0_i32, %min3A_1 : i32, i32
  }
  func.func @transform_1(%arg0: i32) -> (i32, i32) {
    %mul3A = arith.constant 2 : i32
    %mul3A_0 = arith.muli %mul3A, %arg0 : i32
    %add3A = arith.constant 1 : i32
    %add3A_1 = arith.addi %mul3A_0, %add3A : i32
    %min3A = arith.constant 48 : i32
    %min3A_2 = arith.minsi %add3A_1, %min3A : i32
    %c0_i32 = arith.constant 0 : i32
    %c0_i32_3 = arith.constant 0 : i32
    return %c0_i32, %min3A_2 : i32, i32
  }
  func.func @transform_2(%arg0: i32) -> (i32, i32) {
    %c0_i32 = arith.constant 0 : i32
    %c0_i32_0 = arith.constant 0 : i32
    return %arg0, %c0_i32 : i32, i32
  }
}

module attributes {stable_mosaic.version = 14 : i64} {
  func.func @body(%arg0: i32, %arg1: memref<5x1024xi32, #tpu.memory_space<vmem>>, %arg2: memref<1024x128xf32, #tpu.memory_space<vmem>>, %arg3: memref<1024x128xf32, #tpu.memory_space<vmem>>, %arg4: memref<8x64xf32, #tpu.memory_space<vmem>>, %arg5: memref<8x64xf32, #tpu.memory_space<vmem>>, %arg6: memref<24x64xf32, #tpu.memory_space<vmem>>, %arg7: memref<128x64xf32, #tpu.memory_space<vmem>>, %arg8: memref<1x64xf32, #tpu.memory_space<vmem>>, %arg9: memref<1024x1xf32, #tpu.memory_space<vmem>>) attributes {dimension_semantics = [#tpu.dimension_semantics<arbitrary>], iteration_bounds = array<i64: 16>, scalar_prefetch = 0 : i64, scratch_operands = 0 : i64, tpu.core_type = #tpu.core_type<tc>, window_params = [{transform_indices = @transform_0, window_bounds = array<i64: 5, 1024>}, {transform_indices = @transform_1, window_bounds = array<i64: 1024, 128>}, {transform_indices = @transform_2, window_bounds = array<i64: 1024, 128>}, {pipeline_mode = #tpu.pipeline_mode<synchronous>, transform_indices = @transform_3, window_bounds = array<i64: 8, 64>}, {pipeline_mode = #tpu.pipeline_mode<synchronous>, transform_indices = @transform_4, window_bounds = array<i64: 8, 64>}, {pipeline_mode = #tpu.pipeline_mode<synchronous>, transform_indices = @transform_5, window_bounds = array<i64: 24, 64>}, {pipeline_mode = #tpu.pipeline_mode<synchronous>, transform_indices = @transform_6, window_bounds = array<i64: 128, 64>}, {pipeline_mode = #tpu.pipeline_mode<synchronous>, transform_indices = @transform_7, window_bounds = array<i64: 1, 64>}, {transform_indices = @transform_8, window_bounds = array<i64: 1024, 1>}]} {
    %get3A = arith.constant 0 : index
    %get3A_0 = arith.constant 0 : index
    %get3A_1 = vector.load %arg1[%get3A, %get3A_0] : memref<5x1024xi32, #tpu.memory_space<vmem>>, vector<5x1024xi32>
    %transpose3A = tpu.transpose %get3A_1, [1, 0] : vector<5x1024xi32> -> vector<1024x5xi32>
    %slice3A = vector.extract_strided_slice %transpose3A {offsets = [0, 0], sizes = [1024, 1], strides = [1, 1]} : vector<1024x5xi32> to vector<1024x1xi32>
    %slice3A_2 = vector.extract_strided_slice %transpose3A {offsets = [0, 1], sizes = [1024, 1], strides = [1, 1]} : vector<1024x5xi32> to vector<1024x1xi32>
    %slice3A_3 = vector.extract_strided_slice %transpose3A {offsets = [0, 2], sizes = [1024, 1], strides = [1, 1]} : vector<1024x5xi32> to vector<1024x1xi32>
    %slice3A_4 = vector.extract_strided_slice %transpose3A {offsets = [0, 3], sizes = [1024, 1], strides = [1, 1]} : vector<1024x5xi32> to vector<1024x1xi32>
    %eq3A = arith.constant 1 : i32
    %eq3A_5 = vector.broadcast %eq3A : i32 to vector<1024x1xi32>
    %eq3A_6 = arith.cmpi eq, %slice3A_4, %eq3A_5 : vector<1024x1xi32>
    %slice3A_7 = vector.extract_strided_slice %transpose3A {offsets = [0, 4], sizes = [1024, 1], strides = [1, 1]} : vector<1024x5xi32> to vector<1024x1xi32>
    %eq3A_8 = arith.constant 1 : i32
    %eq3A_9 = vector.broadcast %eq3A_8 : i32 to vector<1024x1xi32>
    %eq3A_10 = arith.cmpi eq, %slice3A_7, %eq3A_9 : vector<1024x1xi32>
    %get3A_11 = arith.constant 0 : index
    %get3A_12 = arith.constant 0 : index
    %get3A_13 = vector.load %arg2[%get3A_11, %get3A_12] : memref<1024x128xf32, #tpu.memory_space<vmem>>, vector<1024x128xf32>
    %get3A_14 = arith.constant 0 : index
    %get3A_15 = arith.constant 0 : index
    %get3A_16 = vector.load %arg3[%get3A_14, %get3A_15] : memref<1024x128xf32, #tpu.memory_space<vmem>>, vector<1024x128xf32>
    %slice3A_17 = vector.extract_strided_slice %get3A_13 {offsets = [0, 64], sizes = [1024, 64], strides = [1, 1]} : vector<1024x128xf32> to vector<1024x64xf32>
    %slice3A_18 = vector.extract_strided_slice %get3A_13 {offsets = [0, 0], sizes = [1024, 64], strides = [1, 1]} : vector<1024x128xf32> to vector<1024x64xf32>
    %broadcast_in_dim3A = vector.shape_cast %eq3A_6 : vector<1024x1xi1> to vector<1024x1xi1>
    %broadcast_in_dim3A_19 = vector.broadcast %broadcast_in_dim3A : vector<1024x1xi1> to vector<1024x64xi1>
    %select_n3A = arith.select %broadcast_in_dim3A_19, %slice3A_17, %slice3A_18 : vector<1024x64xi1>, vector<1024x64xf32>
    %slice3A_20 = vector.extract_strided_slice %get3A_16 {offsets = [0, 64], sizes = [1024, 64], strides = [1, 1]} : vector<1024x128xf32> to vector<1024x64xf32>
    %slice3A_21 = vector.extract_strided_slice %get3A_16 {offsets = [0, 0], sizes = [1024, 64], strides = [1, 1]} : vector<1024x128xf32> to vector<1024x64xf32>
    %broadcast_in_dim3A_22 = vector.shape_cast %eq3A_10 : vector<1024x1xi1> to vector<1024x1xi1>
    %broadcast_in_dim3A_23 = vector.broadcast %broadcast_in_dim3A_22 : vector<1024x1xi1> to vector<1024x64xi1>
    %select_n3A_24 = arith.select %broadcast_in_dim3A_23, %slice3A_20, %slice3A_21 : vector<1024x64xi1>, vector<1024x64xf32>
    %get3A_25 = arith.constant 0 : index
    %get3A_26 = arith.constant 0 : index
    %get3A_27 = vector.load %arg7[%get3A_25, %get3A_26] : memref<128x64xf32, #tpu.memory_space<vmem>>, vector<64x64xf32>
    %get3A_28 = arith.constant 64 : index
    %get3A_29 = arith.constant 0 : index
    %get3A_30 = vector.load %arg7[%get3A_28, %get3A_29] : memref<128x64xf32, #tpu.memory_space<vmem>>, vector<64x64xf32>
    %dot_general3A = arith.constant dense<0.000000e+00> : vector<1024x64xf32>
    %dot_general3A_31 = tpu.matmul %select_n3A_24, %get3A_27, %dot_general3A {dimension_numbers = #tpu.dot_dimension_numbers<[1], [0], [0], [1], [0, 0, 1, 1], [], []>, transpose_lhs_hint = false} : vector<1024x64xf32>, vector<64x64xf32>, vector<1024x64xf32> -> vector<1024x64xf32>
    %get3A_32 = arith.constant 0 : index
    %get3A_33 = arith.constant 0 : index
    %get3A_34 = vector.load %arg8[%get3A_32, %get3A_33] : memref<1x64xf32, #tpu.memory_space<vmem>>, vector<1x64xf32>
    %add3A = vector.broadcast %get3A_34 : vector<1x64xf32> to vector<1024x64xf32>
    %add3A_35 = arith.addf %dot_general3A_31, %add3A : vector<1024x64xf32>
    %iota3A = tpu.iota {dimensions = array<i32: 1>} : vector<1024x8xi32>
    %eq3A_36 = vector.broadcast %slice3A : vector<1024x1xi32> to vector<1024x8xi32>
    %eq3A_37 = arith.cmpi eq, %eq3A_36, %iota3A : vector<1024x8xi32>
    %convert_element_type3A = arith.extui %eq3A_37 : vector<1024x8xi1> to vector<1024x8xi32>
    %convert_element_type3A_38 = arith.sitofp %convert_element_type3A : vector<1024x8xi32> to vector<1024x8xf32>
    %get3A_39 = arith.constant 0 : index
    %get3A_40 = arith.constant 0 : index
    %get3A_41 = vector.load %arg4[%get3A_39, %get3A_40] : memref<8x64xf32, #tpu.memory_space<vmem>>, vector<8x64xf32>
    %dot_general3A_42 = arith.constant dense<0.000000e+00> : vector<8x64xf32>
    %dot_general3A_43 = tpu.matmul %get3A_41, %get3A_30, %dot_general3A_42 {dimension_numbers = #tpu.dot_dimension_numbers<[1], [0], [0], [1], [0, 0, 1, 1], [], []>, transpose_lhs_hint = false} : vector<8x64xf32>, vector<64x64xf32>, vector<8x64xf32> -> vector<8x64xf32>
    %concatenate3A = tpu.concatenate %get3A_41, %dot_general3A_43 in 1 : vector<8x64xf32>, vector<8x64xf32> -> vector<8x128xf32>
    %dot_general3A_44 = arith.constant dense<0.000000e+00> : vector<1024x128xf32>
    %dot_general3A_45 = tpu.matmul %convert_element_type3A_38, %concatenate3A, %dot_general3A_44 {dimension_numbers = #tpu.dot_dimension_numbers<[1], [0], [0], [1], [0, 0, 1, 1], [], []>, transpose_lhs_hint = false} : vector<1024x8xf32>, vector<8x128xf32>, vector<1024x128xf32> -> vector<1024x128xf32>
    %slice3A_46 = vector.extract_strided_slice %dot_general3A_45 {offsets = [0, 0], sizes = [1024, 64], strides = [1, 1]} : vector<1024x128xf32> to vector<1024x64xf32>
    %slice3A_47 = vector.extract_strided_slice %dot_general3A_45 {offsets = [0, 64], sizes = [1024, 64], strides = [1, 1]} : vector<1024x128xf32> to vector<1024x64xf32>
    %add3A_48 = arith.addf %add3A_35, %slice3A_47 : vector<1024x64xf32>
    %reduce_max3A = arith.constant dense<0xFF800000> : vector<1024xf32>
    %reduce_max3A_49 = vector.multi_reduction <maximumf>, %add3A_48, %reduce_max3A [1] : vector<1024x64xf32> to vector<1024xf32>
    %broadcast_in_dim3A_50 = vector.shape_cast %reduce_max3A_49 : vector<1024xf32> to vector<1024x1xf32>
    %sub3A = vector.broadcast %broadcast_in_dim3A_50 : vector<1024x1xf32> to vector<1024x64xf32>
    %sub3A_51 = arith.subf %add3A_48, %sub3A : vector<1024x64xf32>
    %exp3A = math.exp %sub3A_51 : vector<1024x64xf32>
    %reduce_sum3A = arith.constant dense<0.000000e+00> : vector<1024xf32>
    %reduce_sum3A_52 = vector.multi_reduction <add>, %exp3A, %reduce_sum3A [1] : vector<1024x64xf32> to vector<1024xf32>
    %broadcast_in_dim3A_53 = vector.shape_cast %reduce_sum3A_52 : vector<1024xf32> to vector<1024x1xf32>
    %div3A = vector.broadcast %broadcast_in_dim3A_53 : vector<1024x1xf32> to vector<1024x64xf32>
    %div3A_54 = arith.divf %exp3A, %div3A : vector<1024x64xf32>
    %mul3A = arith.mulf %div3A_54, %slice3A_46 : vector<1024x64xf32>
    %iota3A_55 = tpu.iota {dimensions = array<i32: 1>} : vector<1024x8xi32>
    %eq3A_56 = vector.broadcast %slice3A_2 : vector<1024x1xi32> to vector<1024x8xi32>
    %eq3A_57 = arith.cmpi eq, %eq3A_56, %iota3A_55 : vector<1024x8xi32>
    %convert_element_type3A_58 = arith.extui %eq3A_57 : vector<1024x8xi1> to vector<1024x8xi32>
    %convert_element_type3A_59 = arith.sitofp %convert_element_type3A_58 : vector<1024x8xi32> to vector<1024x8xf32>
    %get3A_60 = arith.constant 0 : index
    %get3A_61 = arith.constant 0 : index
    %get3A_62 = vector.load %arg5[%get3A_60, %get3A_61] : memref<8x64xf32, #tpu.memory_space<vmem>>, vector<8x64xf32>
    %dot_general3A_63 = arith.constant dense<0.000000e+00> : vector<8x64xf32>
    %dot_general3A_64 = tpu.matmul %get3A_62, %get3A_30, %dot_general3A_63 {dimension_numbers = #tpu.dot_dimension_numbers<[1], [0], [0], [1], [0, 0, 1, 1], [], []>, transpose_lhs_hint = false} : vector<8x64xf32>, vector<64x64xf32>, vector<8x64xf32> -> vector<8x64xf32>
    %concatenate3A_65 = tpu.concatenate %get3A_62, %dot_general3A_64 in 1 : vector<8x64xf32>, vector<8x64xf32> -> vector<8x128xf32>
    %dot_general3A_66 = arith.constant dense<0.000000e+00> : vector<1024x128xf32>
    %dot_general3A_67 = tpu.matmul %convert_element_type3A_59, %concatenate3A_65, %dot_general3A_66 {dimension_numbers = #tpu.dot_dimension_numbers<[1], [0], [0], [1], [0, 0, 1, 1], [], []>, transpose_lhs_hint = false} : vector<1024x8xf32>, vector<8x128xf32>, vector<1024x128xf32> -> vector<1024x128xf32>
    %slice3A_68 = vector.extract_strided_slice %dot_general3A_67 {offsets = [0, 0], sizes = [1024, 64], strides = [1, 1]} : vector<1024x128xf32> to vector<1024x64xf32>
    %slice3A_69 = vector.extract_strided_slice %dot_general3A_67 {offsets = [0, 64], sizes = [1024, 64], strides = [1, 1]} : vector<1024x128xf32> to vector<1024x64xf32>
    %add3A_70 = arith.addf %add3A_35, %slice3A_69 : vector<1024x64xf32>
    %reduce_max3A_71 = arith.constant dense<0xFF800000> : vector<1024xf32>
    %reduce_max3A_72 = vector.multi_reduction <maximumf>, %add3A_70, %reduce_max3A_71 [1] : vector<1024x64xf32> to vector<1024xf32>
    %broadcast_in_dim3A_73 = vector.shape_cast %reduce_max3A_72 : vector<1024xf32> to vector<1024x1xf32>
    %sub3A_74 = vector.broadcast %broadcast_in_dim3A_73 : vector<1024x1xf32> to vector<1024x64xf32>
    %sub3A_75 = arith.subf %add3A_70, %sub3A_74 : vector<1024x64xf32>
    %exp3A_76 = math.exp %sub3A_75 : vector<1024x64xf32>
    %reduce_sum3A_77 = arith.constant dense<0.000000e+00> : vector<1024xf32>
    %reduce_sum3A_78 = vector.multi_reduction <add>, %exp3A_76, %reduce_sum3A_77 [1] : vector<1024x64xf32> to vector<1024xf32>
    %broadcast_in_dim3A_79 = vector.shape_cast %reduce_sum3A_78 : vector<1024xf32> to vector<1024x1xf32>
    %div3A_80 = vector.broadcast %broadcast_in_dim3A_79 : vector<1024x1xf32> to vector<1024x64xf32>
    %div3A_81 = arith.divf %exp3A_76, %div3A_80 : vector<1024x64xf32>
    %mul3A_82 = arith.mulf %div3A_81, %slice3A_68 : vector<1024x64xf32>
    %iota3A_83 = tpu.iota {dimensions = array<i32: 1>} : vector<1024x24xi32>
    %eq3A_84 = vector.broadcast %slice3A_3 : vector<1024x1xi32> to vector<1024x24xi32>
    %eq3A_85 = arith.cmpi eq, %eq3A_84, %iota3A_83 : vector<1024x24xi32>
    %convert_element_type3A_86 = arith.extui %eq3A_85 : vector<1024x24xi1> to vector<1024x24xi32>
    %convert_element_type3A_87 = arith.sitofp %convert_element_type3A_86 : vector<1024x24xi32> to vector<1024x24xf32>
    %get3A_88 = arith.constant 0 : index
    %get3A_89 = arith.constant 0 : index
    %get3A_90 = vector.load %arg6[%get3A_88, %get3A_89] : memref<24x64xf32, #tpu.memory_space<vmem>>, vector<24x64xf32>
    %dot_general3A_91 = arith.constant dense<0.000000e+00> : vector<24x64xf32>
    %dot_general3A_92 = tpu.matmul %get3A_90, %get3A_30, %dot_general3A_91 {dimension_numbers = #tpu.dot_dimension_numbers<[1], [0], [0], [1], [0, 0, 1, 1], [], []>, transpose_lhs_hint = false} : vector<24x64xf32>, vector<64x64xf32>, vector<24x64xf32> -> vector<24x64xf32>
    %concatenate3A_93 = tpu.concatenate %get3A_90, %dot_general3A_92 in 1 : vector<24x64xf32>, vector<24x64xf32> -> vector<24x128xf32>
    %dot_general3A_94 = arith.constant dense<0.000000e+00> : vector<1024x128xf32>
    %dot_general3A_95 = tpu.matmul %convert_element_type3A_87, %concatenate3A_93, %dot_general3A_94 {dimension_numbers = #tpu.dot_dimension_numbers<[1], [0], [0], [1], [0, 0, 1, 1], [], []>, transpose_lhs_hint = false} : vector<1024x24xf32>, vector<24x128xf32>, vector<1024x128xf32> -> vector<1024x128xf32>
    %slice3A_96 = vector.extract_strided_slice %dot_general3A_95 {offsets = [0, 0], sizes = [1024, 64], strides = [1, 1]} : vector<1024x128xf32> to vector<1024x64xf32>
    %slice3A_97 = vector.extract_strided_slice %dot_general3A_95 {offsets = [0, 64], sizes = [1024, 64], strides = [1, 1]} : vector<1024x128xf32> to vector<1024x64xf32>
    %add3A_98 = arith.addf %add3A_35, %slice3A_97 : vector<1024x64xf32>
    %reduce_max3A_99 = arith.constant dense<0xFF800000> : vector<1024xf32>
    %reduce_max3A_100 = vector.multi_reduction <maximumf>, %add3A_98, %reduce_max3A_99 [1] : vector<1024x64xf32> to vector<1024xf32>
    %broadcast_in_dim3A_101 = vector.shape_cast %reduce_max3A_100 : vector<1024xf32> to vector<1024x1xf32>
    %sub3A_102 = vector.broadcast %broadcast_in_dim3A_101 : vector<1024x1xf32> to vector<1024x64xf32>
    %sub3A_103 = arith.subf %add3A_98, %sub3A_102 : vector<1024x64xf32>
    %exp3A_104 = math.exp %sub3A_103 : vector<1024x64xf32>
    %reduce_sum3A_105 = arith.constant dense<0.000000e+00> : vector<1024xf32>
    %reduce_sum3A_106 = vector.multi_reduction <add>, %exp3A_104, %reduce_sum3A_105 [1] : vector<1024x64xf32> to vector<1024xf32>
    %broadcast_in_dim3A_107 = vector.shape_cast %reduce_sum3A_106 : vector<1024xf32> to vector<1024x1xf32>
    %div3A_108 = vector.broadcast %broadcast_in_dim3A_107 : vector<1024x1xf32> to vector<1024x64xf32>
    %div3A_109 = arith.divf %exp3A_104, %div3A_108 : vector<1024x64xf32>
    %mul3A_110 = arith.mulf %div3A_109, %slice3A_96 : vector<1024x64xf32>
    %add3A_111 = arith.addf %mul3A, %mul3A_82 : vector<1024x64xf32>
    %add3A_112 = arith.addf %add3A_111, %mul3A_110 : vector<1024x64xf32>
    %mul3A_113 = arith.mulf %mul3A, %mul3A : vector<1024x64xf32>
    %mul3A_114 = arith.mulf %mul3A_82, %mul3A_82 : vector<1024x64xf32>
    %add3A_115 = arith.addf %mul3A_113, %mul3A_114 : vector<1024x64xf32>
    %mul3A_116 = arith.mulf %mul3A_110, %mul3A_110 : vector<1024x64xf32>
    %add3A_117 = arith.addf %add3A_115, %mul3A_116 : vector<1024x64xf32>
    %mul3A_118 = arith.mulf %select_n3A, %add3A_112 : vector<1024x64xf32>
    %mul3A_119 = arith.mulf %add3A_112, %add3A_112 : vector<1024x64xf32>
    %sub3A_120 = arith.subf %mul3A_119, %add3A_117 : vector<1024x64xf32>
    %mul3A_121 = arith.constant 5.000000e-01 : f32
    %mul3A_122 = vector.broadcast %mul3A_121 : f32 to vector<1024x64xf32>
    %mul3A_123 = arith.mulf %mul3A_122, %sub3A_120 : vector<1024x64xf32>
    %add3A_124 = arith.addf %mul3A_118, %mul3A_123 : vector<1024x64xf32>
    %mul3A_125 = arith.mulf %add3A_124, %select_n3A_24 : vector<1024x64xf32>
    %reduce_sum3A_126 = arith.constant dense<0.000000e+00> : vector<1024xf32>
    %reduce_sum3A_127 = vector.multi_reduction <add>, %mul3A_125, %reduce_sum3A_126 [1] : vector<1024x64xf32> to vector<1024xf32>
    %broadcast_in_dim3A_128 = vector.shape_cast %reduce_sum3A_127 : vector<1024xf32> to vector<1024x1xf32>
    %swap3A = arith.constant 0 : index
    %swap3A_129 = arith.constant 0 : index
    %swap3A_130 = vector.load %arg9[%swap3A, %swap3A_129] : memref<1024x1xf32, #tpu.memory_space<vmem>>, vector<1024x1xf32>
    tpu.vector_store %arg9[%swap3A, %swap3A_129], %broadcast_in_dim3A_128 {strides = array<i32>} : memref<1024x1xf32, #tpu.memory_space<vmem>>, vector<1024x1xf32>,
    return
  }
  func.func @transform_0(%arg0: i32) -> (i32, i32) {
    %c0_i32 = arith.constant 0 : i32
    %c0_i32_0 = arith.constant 0 : i32
    return %c0_i32, %arg0 : i32, i32
  }
  func.func @transform_1(%arg0: i32) -> (i32, i32) {
    %c0_i32 = arith.constant 0 : i32
    %c0_i32_0 = arith.constant 0 : i32
    return %arg0, %c0_i32 : i32, i32
  }
  func.func @transform_2(%arg0: i32) -> (i32, i32) {
    %c0_i32 = arith.constant 0 : i32
    %c0_i32_0 = arith.constant 0 : i32
    return %arg0, %c0_i32 : i32, i32
  }
  func.func @transform_3(%arg0: i32) -> (i32, i32) {
    %c0_i32 = arith.constant 0 : i32
    %c0_i32_0 = arith.constant 0 : i32
    %c0_i32_1 = arith.constant 0 : i32
    return %c0_i32, %c0_i32_0 : i32, i32
  }
  func.func @transform_4(%arg0: i32) -> (i32, i32) {
    %c0_i32 = arith.constant 0 : i32
    %c0_i32_0 = arith.constant 0 : i32
    %c0_i32_1 = arith.constant 0 : i32
    return %c0_i32, %c0_i32_0 : i32, i32
  }
  func.func @transform_5(%arg0: i32) -> (i32, i32) {
    %c0_i32 = arith.constant 0 : i32
    %c0_i32_0 = arith.constant 0 : i32
    %c0_i32_1 = arith.constant 0 : i32
    return %c0_i32, %c0_i32_0 : i32, i32
  }
  func.func @transform_6(%arg0: i32) -> (i32, i32) {
    %c0_i32 = arith.constant 0 : i32
    %c0_i32_0 = arith.constant 0 : i32
    %c0_i32_1 = arith.constant 0 : i32
    return %c0_i32, %c0_i32_0 : i32, i32
  }
  func.func @transform_7(%arg0: i32) -> (i32, i32) {
    %c0_i32 = arith.constant 0 : i32
    %c0_i32_0 = arith.constant 0 : i32
    %c0_i32_1 = arith.constant 0 : i32
    return %c0_i32, %c0_i32_0 : i32, i32
  }
  func.func @transform_8(%arg0: i32) -> (i32, i32) {
    %c0_i32 = arith.constant 0 : i32
    %c0_i32_0 = arith.constant 0 : i32
    return %arg0, %c0_i32 : i32, i32
  }
}

</mosaic_0001>

<sc_bundles>
// kernel: kernel.6.cloned.1.call-start
scs
__scs_entry_jumppad:
0x0: {  	(pc) =	sbr.rel $0x88, $3  }
0x1: {  	(tag) =	ssettag $0x0;
	lr =	simm.s32 $0x1  }
0x2: {  	[smem:$0x3F95] =	sst lr;
	_ =	strace $0xD0000000  }
0x3: {  	_ = 	snop  }
0x4: {  	_ = 	snop  }
0x5: {  	_ = 	snop  }
0x6: {  	_ = 	snop  }
0x7: {  	_ = 	snop  }
__scs_overlays_trampoline_lowered:
0x8: {  	[smem:$0x3FA4] =	sst s0  }
0x9: {  	[smem:$0x3FA5] =	sst s1  }
0xa: {  	[smem:$0x3FA6] =	sst s2  }
0xb: {  	[smem:$0x3FA7] =	sst s3  }
0xc: {  	[smem:$0x3FA8] =	sst s4  }
0xd: {  	[smem:$0x3FA9] =	sst s5  }
0xe: {  	[smem:$0x3FAA] =	sst s6  }
0xf: {  	[smem:$0x3FAB] =	sst s7  }
0x10: {  	[smem:$0x3FAC] =	sst s8  }
0x11: {  	[smem:$0x3FAD] =	sst s9;
	s0 =	simm.s32 @!p0 $0x0  }
0x12: {  	s1 =	sld [smem:$0x3F93];
	s0 =	simm.s32 @p0 $0x1  }
0x13: {  	[smem:$0x3FAE] =	sst s0;
	s0 =	simm.s32 @!p1 $0x0  }
0x14: {  	s2 =	sld [smem:$0x3F92];
	s0 =	simm.s32 @p1 $0x1  }
0x15: {  	[smem:$0x3FAF] =	sst s0;
	s0 =	simm.s32 @!p2 $0x0  }
0x16: {  	s3 =	sld [smem:$0x3FDB];
	s0 =	simm.s32 @p2 $0x1  }
0x17: {  	s4 =	simm.s32 $0x1BF5;
	[smem:$0x3FB1] =	sst s0  }
0x18: {  	s0 =	sld [smem:$0x3F94];
	_ =	swait.ge [sflag:s4], $0x0  }
0x19: {  	s7 =	sld [smem:$0x3F95]  }
0x1a: {  	s8 =	sadd.s32 $0xFFFFE003, lr  }
0x1b: {  	s9 =	sadd.s32 $0xFFFFFEF7, lr;
	s5 =	simm.s32 $0xFFFFFFFF;
	p2 =	slt.u32 s8, $0xFFFFF086  }
0x1c: {  	p1 =	slt.u32 s9, $0xF7A;
	s5 =	simm.s32 @!p2 $0x0  }
0x1d: {  	s5 =	simm.s32 @p1 $0x1;
	p0 =	seq.s32 s7, s2  }
0x1e: {  	s7 =	smul.u32 @!p0 $0xF7A, s2;
	p2 =	seq.s32 @!p0 s5, $0x0  }
0x1f: {  	s9 =	smul.u32 $0xF7A, s1;
	s8 =	simm.s32 @!p0 $0x1BF5;
	p2 =	por !p2, p0  }
0x20: {  	[sflag:s8] =	ssyncset.s32 @!p0 $0xFFFFF086;
	s6 =	sadd.s32 @!p0 s3, s7;
	s7 =	simm.s32 @!p0 $0x108  }
0x21: {  	s3 =	sadd.s32 s3, s9;
	s6 =	sadd.s32 @!p0 $0x88, s6;
	s7 =	simm.s32 @p2 $0x1082  }
0x22: {  	[simem:s7], [sflag:s8] =	dma.local @!p0 [hbm:s6], $0xF7A  }
0x23: {  	s9 =	sor.u32 $0xD0000000, s2;
	s6 =	simm.s32 $0x108;
	_ =	swait.ge @!p0 [sflag:s8], $0x0  }
0x24: {  	s3 =	sadd.s32 $0x88, s3;
	s6 =	simm.s32 @!p1 $0x1082;
	[sflag:s4] =	ssyncset.s32 $0xFFFFF086  }
0x25: {  	[simem:s6], [sflag:s4] =	dma.local [hbm:s3], $0xF7A  }
0x26: {  	[smem:$0x3F95] =	sst s1;
	(tag) =	ssettag s2;
	_ =	strace s9  }
0x27: {  	s1 =	sld [smem:$0x3FA5]  }
0x28: {  	s2 =	sld [smem:$0x3FA6]  }
0x29: {  	s4 =	sld [smem:$0x3FA8]  }
0x2a: {  	p0 =	seq.s32 s5, $0x0;
	s5 =	sld [smem:$0x3FA9]  }
0x2b: {  	s6 =	sld [smem:$0x3FAA]  }
0x2c: {  	s7 =	sld [smem:$0x3FAB]  }
0x2d: {  	s3 =	simm.s32 $0x108;
	s8 =	sld [smem:$0x3FAC]  }
0x2e: {  	s3 =	simm.s32 @!p0 $0x1082;
	s9 =	sld [smem:$0x3FAD]  }
0x2f: {  	lr =	sadd.s32 s0, s3;
	s0 =	sld [smem:$0x3FA4]  }
0x30: {  	s3 =	sld [smem:$0x3FA7]  }
0x31: {  	[smem:$0x3FB0] =	sst s10  }
0x32: {  	s10 =	sld [smem:$0x3FAE];
	_ =	sdelay $0x3  }
0x33: {  	p0 =	seq.s32 s10, $0x1;
	s10 =	sld [smem:$0x3FB0];
	_ =	sdelay $0x3  }
0x34: {  	[smem:$0x3FB0] =	sst s10  }
0x35: {  	s10 =	sld [smem:$0x3FAF];
	_ =	sdelay $0x3  }
0x36: {  	p1 =	seq.s32 s10, $0x1;
	s10 =	sld [smem:$0x3FB0];
	_ =	sdelay $0x3  }
0x37: {  	[smem:$0x3FB0] =	sst s10  }
0x38: {  	s10 =	sld [smem:$0x3FB1]  }
0x39: {  	_ = 	snop;
	(pc) =	sbr.ind lr, $3  }
0x3a: {  	_ = 	snop  }
0x3b: {  	_ = 	snop  }
0x3c: {  	p2 =	seq.s32 s10, $0x1;
	s10 =	sld [smem:$0x3FB0]  }
0x3d: {  	_ =	shalt  }
0x3e: {  	_ =	shalt  }
0x3f: {  	_ =	shalt  }
0x40: {  	_ =	shalt  }
0x41: {  	_ =	shalt  }
0x42: {  	_ =	shalt  }
0x43: {  	_ =	shalt  }
0x44: {  	_ =	shalt  }
0x45: {  	_ =	shalt  }
0x46: {  	_ =	shalt  }
0x47: {  	_ =	shalt  }
0x48: {  	_ =	shalt  }
0x49: {  	_ =	shalt  }
0x4a: {  	_ =	shalt  }
0x4b: {  	_ =	shalt  }
0x4c: {  	_ =	shalt  }
0x4d: {  	_ =	shalt  }
0x4e: {  	_ =	shalt  }
0x4f: {  	_ =	shalt  }
0x50: {  	_ =	shalt  }
0x51: {  	_ =	shalt  }
0x52: {  	_ =	shalt  }
0x53: {  	_ =	shalt  }
0x54: {  	_ =	shalt  }
0x55: {  	_ =	shalt  }
0x56: {  	_ =	shalt  }
0x57: {  	_ =	shalt  }
0x58: {  	_ =	shalt  }
0x59: {  	_ =	shalt  }
0x5a: {  	_ =	shalt  }
0x5b: {  	_ =	shalt  }
0x5c: {  	_ =	shalt  }
0x5d: {  	_ =	shalt  }
0x5e: {  	_ =	shalt  }
0x5f: {  	_ =	shalt  }
0x60: {  	_ =	shalt  }
0x61: {  	_ =	shalt  }
0x62: {  	_ =	shalt  }
0x63: {  	_ =	shalt  }
0x64: {  	_ =	shalt  }
0x65: {  	_ =	shalt  }
0x66: {  	_ =	shalt  }
0x67: {  	_ =	shalt  }
0x68: {  	_ =	shalt  }
0x69: {  	_ =	shalt  }
0x6a: {  	_ =	shalt  }
0x6b: {  	_ =	shalt  }
0x6c: {  	_ =	shalt  }
0x6d: {  	_ =	shalt  }
0x6e: {  	_ =	shalt  }
0x6f: {  	_ =	shalt  }
0x70: {  	_ =	shalt  }
0x71: {  	_ =	shalt  }
0x72: {  	_ =	shalt  }
0x73: {  	_ =	shalt  }
0x74: {  	_ =	shalt  }
0x75: {  	_ =	shalt  }
0x76: {  	_ =	shalt  }
0x77: {  	_ =	shalt  }
0x78: {  	_ =	shalt  }
0x79: {  	_ =	shalt  }
0x7a: {  	_ =	shalt  }
0x7b: {  	_ =	shalt  }
0x7c: {  	_ =	shalt  }
0x7d: {  	_ =	shalt  }
0x7e: {  	_ =	shalt  }
0x7f: {  	_ =	shalt  }
0x80: {  	_ =	shalt  }
0x81: {  	_ =	shalt  }
0x82: {  	_ =	shalt  }
0x83: {  	_ =	shalt  }
0x84: {  	_ =	shalt  }
0x85: {  	_ =	shalt  }
0x86: {  	_ =	shalt  }
0x87: {  	_ =	shalt  }
.Lfunc_end0:
.L_simem_size_0:
called_computation_lowered:
.L_overlay_start_0:
0x88: {  	s2 =	sld [smem:$0x3FD9]  }
0x89: {  	s3 =	sld [smem:$0x3FFE];
	_ =	sdelay $0x1  }
0x8a: {  	s1 =	srdreg.scid  }
0x8b: {  	s0 =	sand.u32 $0x1, s1  }
0x8c: {  	s17 =	sshll.u32 s0, $0xA;
	s2 =	sadd.s32 s3, s2  }
0x8d: {  	s2 =	sadd.s32 s2, s17  }
0x8e: {  	[smem:$0x3FBC] =	sst s2  }
0x8f: {  	_ = 	snop  }
0x90: {  	s2 =	sld [smem:$0x3FD0];
	(tm) =	ssettm $0x1  }
0x91: {  	s18 =	sld [smem:$0x3FFB];
	_ =	sdelay $0x3  }
0x92: {  	_ =	strace s18  }
0x93: {  	s3 =	sld [smem:$0x3FFC];
	_ =	sdelay $0x3  }
0x94: {  	_ =	strace s3  }
0x95: {  	s3 =	sld [smem:$0x3FFD];
	_ =	sdelay $0x3  }
0x96: {  	_ =	strace s3  }
0x97: {  	_ =	strace $0x8FFFFFFF  }
0x98: {  	s19 =	sld [smem:$0x3FDB];
	_ =	sdelay $0x1  }
0x99: {  	s4 =	simm.s32 $_scs_section_size  }
0x9a: {  	s5 =	simm.s32 $_size__tile_overlayer_lowered;
	s6 =	simm.s32 $_tile_overlayer_lowered  }
0x9b: {  	s22 =	simm.s32 $0x1BFF;
	s21 =	sshll.u32 s6, $0x1;
	s3 =	sadd.s32 s4, s19  }
0x9c: {  	s7 =	simm.s32 $0x0;
	s20 =	sshll.u32 s5, $0x1;
	s5 =	sadd.s32 s21, s3  }
0x9d: {  	[timem:s7], [sflag:s22] =	dma.local [hbm:s5], s20  }
0x9e: {  	_ =	swait.ge [sflag:s22], s20  }
0x9f: {  	s4 =	ssub.s32 $0x0, s20;
	[sflag:s22] =	ssyncset.done $0x0  }
0xa0: {  	[sflag:s22] =	ssyncadd.s32 s4;
	_ =	sdelay $0x1  }
0xa1: {  	s23 =	simm.s32 $0x1B8B  }
0xa2: {  	_ =	swait.ge [sflag:s23], $0x1  }
0xa3: {  	[sflag:s23] =	ssyncset.done $0x0  }
0xa4: {  	s25 =	simm.s32 $0x1B8E;
	s24 =	sld [smem:$0x3FFE];
	[sflag:s23] =	ssyncadd.s32 $0xFFFFFFFF  }
0xa5: {  	s26 =	simm.s32 $execute0_lowered;
	[smem:$0x3FD2] =	sst s25  }
0xa6: {  	s5 =	sshll.u32 s26, $0x1;
	_ =	strace $0x80000046;
	[dreg:$0x1] =	wrdreg $0xFFFFFFFF  }
0xa7: {  	s28 =	simm.s32 $_size_execute0_lowered;
	s3 =	sadd.s32 s3, s5;
	[dreg:$0x0] =	wrdreg $0x0  }
0xa8: {  	s5 =	sshll.u32 s28, $0x1;
	[dreg:$0x2] =	wrdreg s3  }
0xa9: {  	[dreg:$0x3] =	wrdreg s5  }
0xaa: {  	[dreg:$0x4] =	wrdreg $0xC0  }
0xab: {  	_ =	task [dreg:s7], $0x5FFFF  }
0xac: {  	[dreg:$0x1] =	wrdreg $0xFFFFFFFF  }
0xad: {  	[dreg:$0x0] =	wrdreg $0x60  }
0xae: {  	[dreg:$0x2] =	wrdreg s2  }
0xaf: {  	[dreg:$0x3] =	wrdreg s24  }
0xb0: {  	[dreg:$0x4] =	wrdreg $0x9  }
0xb1: {  	_ =	task.clear_ibuf [dreg:s7], $0x5FFFF;
	_ =	strace $0x90000046  }
0xb2: {  	s29 =	simm.s32 $0x9;
	_ =	strace $0x80000048  }
0xb3: {  	_ =	swait.ge [sflag:s29], $0x1  }
0xb4: {  	[sflag:s29] =	ssyncadd.s32 $0xFFFFFFFF  }
0xb5: {  	_ =	strace $0x90000048  }
0xb6: {  	_ =	sfence  }
0xb7: {  	s30 =	sld [smem:$0x0];
	_ =	sdelay $0x2  }
0xb8: {  	s31 =	sshll.u32 s1, $0xD;
	s1 =	sshrl.u32 s1, $0x2  }
0xb9: {  	s3 =	sand.u32 $0x4000, s31;
	s1 =	sadd.s32 s1, s30  }
0xba: {  	s0 =	sor.u32 s3, s0;
	s1 =	sshll.u32 s1, $0x11  }
0xbb: {  	s0 =	sor.u32 s1, s0  }
0xbc: {  	s0 =	sadd.s32 $0x8F2B, s0  }
0xbd: {  	[sflag:s0] =	ssyncadd.remote.s32 $0x1  }
0xbe: {  	_ =	sfence.sel $0xFFFF  }
0xbf: {  	[dreg:$0x0] =	wrdreg $0xFFFFFFFF;
	(pc) =	sbr.abs _section_cstart, $3  }
0xc0: {  	[dreg:$0x1] =	wrdreg $0xFFFFFFFF  }
0xc1: {  	_ =	task.clear_ibuf [dreg:s7], $0x2FFFF;
	_ =	strace $0x9FFFFFFF  }
0xc2: {  	(tm) =	ssettm $0x7FFFFFFF  }
0xc3: {  	_ =	shalt  }
tec
execute0_lowered:
.L_overlay_start_1:
0x0: {  	(tag) =	ssettag $0x1  }
0x1: {  	s1 =	srdreg.scid  }
0x2: {  	s3 =	rddreg [dreg:$0x0];
	s0 =	stileid.u32;
	s22 =	sand.u32 $0x1, s1  }
0x3: {  	s17 =	rddreg [dreg:$0x1];
	s4 =	sshll.u32 s0, $0xA;
	s5 =	sshll.u32 s22, $0x9  }
0x4: {  	s2 =	simm.s32 $0x0;
	s1 =	rddreg [dreg:$0x2];
	s16 =	sor.u32 s5, s4  }
0x5: {  	[smem:$0x7FF] =	sst s2;
	s5 =	sshrl.u32 s16, $0x3  }
0x6: {  	_ =	strace $0x80000047;
	s4 =	sadd.s32 s3, s5;
	s3 =	simm.s32 $0x3  }
0x7: {  	[tilespmem:s2], [sflag:$0x3] =	stream.linear.gather [hbm4b:s4+s2], $0x200, $0x38;
	[tilespmem:$0x10400] =	vst v63  }
0x8: {  	_ =	swait.ge [sflag:s3], $0x200  }
0x9: {  	s5 =	sadd.s32 s5, s17;
	[sflag:s3] =	ssyncset.done $0x0  }
0xa: {  	s6 =	simm.s32 $0x200;
	s5 =	sadd.s32 $0x2A00, s5;
	[sflag:s3] =	ssyncadd.s32 $0xFFFFFE00  }
0xb: {  	[tilespmem:s6], [sflag:$0x3] =	stream.linear.gather [hbm4b:s5+s2], $0x200, $0x38;
	[tilespmem:$0x10400] =	vst v63  }
0xc: {  	_ =	swait.ge [sflag:s3], $0x200  }
0xd: {  	s8 =	simm.s32 $0x80;
	[sflag:s3] =	ssyncset.done $0x0  }
0xe: {  	s9 =	simm.s32 $0x400;
	s7 =	sadd.s32 $0x3A00, s17;
	[sflag:s3] =	ssyncadd.s32 $0xFFFFFE00  }
0xf: {  	[tilespmem:s9], [sflag:$0x1] =	stream.indirect.gather [hbm4b:s7+s8], $0x80, s2, s8, $0xb8;
	[tilespmem:$0x10400] =	vst v63  }
0x10: {  	s10 =	simm.s32 $0x4400  }
0x11: {  	[tilespmem:s10], [sflag:$0x1] =	stream.indirect.gather [hbm4b:s7+s8], $0x80, s8, s8, $0xb8;
	[tilespmem:$0x10400] =	vst v63  }
0x12: {  	s11 =	simm.s32 $0x100;
	s12 =	simm.s32 $0x8400  }
0x13: {  	[tilespmem:s12], [sflag:$0x1] =	stream.indirect.gather [hbm4b:s7+s8], $0x80, s11, s8, $0xb8;
	[tilespmem:$0x10400] =	vst v63  }
0x14: {  	s13 =	simm.s32 $0x180;
	s14 =	simm.s32 $0xC400;
	s15 =	simm.s32 $0x1  }
0x15: {  	[tilespmem:s14], [sflag:$0x1] =	stream.indirect.gather [hbm4b:s7+s8], $0x80, s13, s8, $0xb8;
	[tilespmem:$0x10400] =	vst v63  }
0x16: {  	_ =	swait.ge [sflag:s15], $0x4000  }
0x17: {  	[sflag:s15] =	ssyncset.done $0x0  }
0x18: {  	[sflag:s15] =	ssyncadd.s32 $0xFFFFC000  }
0x19: {  	_ =	swait.ge [sflag:s15], $0x4000  }
0x1a: {  	[sflag:s15] =	ssyncset.done $0x0  }
0x1b: {  	[sflag:s15] =	ssyncadd.s32 $0xFFFFC000  }
0x1c: {  	_ =	swait.ge [sflag:s15], $0x4000  }
0x1d: {  	[sflag:s15] =	ssyncset.done $0x0  }
0x1e: {  	[sflag:s15] =	ssyncadd.s32 $0xFFFFC000  }
0x1f: {  	s16 =	sshll.u32 s16, $0x4;
	_ =	swait.ge [sflag:s15], $0x4000  }
0x20: {  	s23 =	sadd.s32 s16, s17;
	[sflag:s15] =	ssyncset.done $0x0  }
0x21: {  	s16 =	sadd.s32 $0x873A00, s23;
	[sflag:s15] =	ssyncadd.s32 $0xFFFFC000  }
0x22: {  	[hbm4b:s16+s2] =	stream.linear.scatter [tilespmem:s9], [sflag:$0x3], $0x10000, $0x38;
	[tilespmem:$0x10400] =	vst v63  }
0x23: {  	_ =	swait.ge [sflag:s3], $0x10000  }
0x24: {  	[sflag:s3] =	ssyncset.done $0x0  }
0x25: {  	s17 =	sadd.s32 $0x7ABA00, s17;
	[sflag:s3] =	ssyncadd.s32 $0xFFFF0000  }
0x26: {  	[tilespmem:s9], [sflag:$0x2] =	stream.indirect.gather [hbm4b:s17+s8], $0x80, s6, s8, $0xb8;
	[tilespmem:$0x10400] =	vst v63  }
0x27: {  	s18 =	simm.s32 $0x280  }
0x28: {  	[tilespmem:s10], [sflag:$0x2] =	stream.indirect.gather [hbm4b:s17+s8], $0x80, s18, s8, $0xb8;
	[tilespmem:$0x10400] =	vst v63  }
0x29: {  	s19 =	simm.s32 $0x300  }
0x2a: {  	[tilespmem:s12], [sflag:$0x2] =	stream.indirect.gather [hbm4b:s17+s8], $0x80, s19, s8, $0xb8;
	[tilespmem:$0x10400] =	vst v63  }
0x2b: {  	s20 =	simm.s32 $0x380;
	s21 =	simm.s32 $0x2  }
0x2c: {  	[tilespmem:s14], [sflag:$0x2] =	stream.indirect.gather [hbm4b:s17+s8], $0x80, s20, s8, $0xb8;
	[tilespmem:$0x10400] =	vst v63  }
0x2d: {  	_ =	swait.ge [sflag:s21], $0x4000  }
0x2e: {  	[sflag:s21] =	ssyncset.done $0x0  }
0x2f: {  	[sflag:s21] =	ssyncadd.s32 $0xFFFFC000  }
0x30: {  	_ =	swait.ge [sflag:s21], $0x4000  }
0x31: {  	[sflag:s21] =	ssyncset.done $0x0  }
0x32: {  	s22 =	ssub.s32 $0x2, s22;
	[sflag:s21] =	ssyncadd.s32 $0xFFFFC000  }
0x33: {  	s24 =	sshrl.u32 s22, $0x1;
	_ =	swait.ge [sflag:s21], $0x4000  }
0x34: {  	s24 =	ssub.s32 s22, s24;
	[sflag:s21] =	ssyncset.done $0x0  }
0x35: {  	s31 =	smax.u32 s24, $0x1;
	[sflag:s21] =	ssyncadd.s32 $0xFFFFC000  }
0x36: {  	p0 =	sne.s32 s31, $0x1;
	_ =	swait.ge [sflag:s21], $0x4000  }
.Ltmp0:
0x37: {  	[sflag:s21] =	ssyncset.done $0x0;
	(pc) =	sbr.rel @!p0 .LBB2_2-.Ltmp0, $4  }
0x38: {  	s22 =	sadd.s32 $0x8B3A00, s23;
	[sflag:s21] =	ssyncadd.s32 $0xFFFFC000  }
0x39: {  	[hbm4b:s22+s2] =	stream.linear.scatter [tilespmem:s9], [sflag:$0x3], $0x10000, $0x38;
	[tilespmem:$0x10400] =	vst v63  }
0x3a: {  	_ =	swait.ge [sflag:s3], $0x10000  }
0x3b: {  	s23 =	sadd.s32 $0xFFFFFFFF, s31;
	[sflag:s3] =	ssyncset.done $0x0  }
.LBB2_1:
0x3c: {  	p0 =	sne.s32 s23, $0x1;
	s23 =	sadd.s32 $0xFFFFFFFF, s23;
	[sflag:s3] =	ssyncadd.s32 $0xFFFF0000  }
0x3d: {  	[tilespmem:s2], [sflag:$0x3] =	stream.linear.gather [hbm4b:s4+s2], $0x200, $0x38;
	[tilespmem:$0x10400] =	vst v63  }
0x3e: {  	_ =	swait.ge [sflag:s3], $0x200  }
0x3f: {  	[sflag:s3] =	ssyncset.done $0x0  }
0x40: {  	[sflag:s3] =	ssyncadd.s32 $0xFFFFFE00  }
0x41: {  	[tilespmem:s6], [sflag:$0x3] =	stream.linear.gather [hbm4b:s5+s2], $0x200, $0x38;
	[tilespmem:$0x10400] =	vst v63  }
0x42: {  	_ =	swait.ge [sflag:s3], $0x200  }
0x43: {  	[sflag:s3] =	ssyncset.done $0x0  }
0x44: {  	[sflag:s3] =	ssyncadd.s32 $0xFFFFFE00  }
0x45: {  	[tilespmem:s9], [sflag:$0x1] =	stream.indirect.gather [hbm4b:s7+s8], $0x80, s2, s8, $0xb8;
	[tilespmem:$0x10400] =	vst v63  }
0x46: {  	_ = 	snop  }
0x47: {  	[tilespmem:s10], [sflag:$0x1] =	stream.indirect.gather [hbm4b:s7+s8], $0x80, s8, s8, $0xb8;
	[tilespmem:$0x10400] =	vst v63  }
0x48: {  	_ = 	snop  }
0x49: {  	[tilespmem:s12], [sflag:$0x1] =	stream.indirect.gather [hbm4b:s7+s8], $0x80, s11, s8, $0xb8;
	[tilespmem:$0x10400] =	vst v63  }
0x4a: {  	_ = 	snop  }
0x4b: {  	[tilespmem:s14], [sflag:$0x1] =	stream.indirect.gather [hbm4b:s7+s8], $0x80, s13, s8, $0xb8;
	[tilespmem:$0x10400] =	vst v63  }
0x4c: {  	_ =	swait.ge [sflag:s15], $0x4000  }
0x4d: {  	[sflag:s15] =	ssyncset.done $0x0  }
0x4e: {  	[sflag:s15] =	ssyncadd.s32 $0xFFFFC000  }
0x4f: {  	_ =	swait.ge [sflag:s15], $0x4000  }
0x50: {  	[sflag:s15] =	ssyncset.done $0x0  }
0x51: {  	[sflag:s15] =	ssyncadd.s32 $0xFFFFC000  }
0x52: {  	_ =	swait.ge [sflag:s15], $0x4000  }
0x53: {  	[sflag:s15] =	ssyncset.done $0x0  }
0x54: {  	[sflag:s15] =	ssyncadd.s32 $0xFFFFC000  }
0x55: {  	_ =	swait.ge [sflag:s15], $0x4000  }
0x56: {  	[sflag:s15] =	ssyncset.done $0x0  }
0x57: {  	[sflag:s15] =	ssyncadd.s32 $0xFFFFC000  }
0x58: {  	[hbm4b:s16+s2] =	stream.linear.scatter [tilespmem:s9], [sflag:$0x3], $0x10000, $0x38;
	[tilespmem:$0x10400] =	vst v63  }
0x59: {  	_ =	swait.ge [sflag:s3], $0x10000  }
0x5a: {  	[sflag:s3] =	ssyncset.done $0x0  }
0x5b: {  	[sflag:s3] =	ssyncadd.s32 $0xFFFF0000  }
0x5c: {  	[tilespmem:s9], [sflag:$0x2] =	stream.indirect.gather [hbm4b:s17+s8], $0x80, s6, s8, $0xb8;
	[tilespmem:$0x10400] =	vst v63  }
0x5d: {  	_ = 	snop  }
0x5e: {  	[tilespmem:s10], [sflag:$0x2] =	stream.indirect.gather [hbm4b:s17+s8], $0x80, s18, s8, $0xb8;
	[tilespmem:$0x10400] =	vst v63  }
0x5f: {  	_ = 	snop  }
0x60: {  	[tilespmem:s12], [sflag:$0x2] =	stream.indirect.gather [hbm4b:s17+s8], $0x80, s19, s8, $0xb8;
	[tilespmem:$0x10400] =	vst v63  }
0x61: {  	_ = 	snop  }
0x62: {  	[tilespmem:s14], [sflag:$0x2] =	stream.indirect.gather [hbm4b:s17+s8], $0x80, s20, s8, $0xb8;
	[tilespmem:$0x10400] =	vst v63  }
0x63: {  	_ =	swait.ge [sflag:s21], $0x4000  }
0x64: {  	[sflag:s21] =	ssyncset.done $0x0  }
0x65: {  	[sflag:s21] =	ssyncadd.s32 $0xFFFFC000  }
0x66: {  	_ =	swait.ge [sflag:s21], $0x4000  }
0x67: {  	[sflag:s21] =	ssyncset.done $0x0  }
0x68: {  	[sflag:s21] =	ssyncadd.s32 $0xFFFFC000  }
0x69: {  	_ =	swait.ge [sflag:s21], $0x4000  }
0x6a: {  	[sflag:s21] =	ssyncset.done $0x0  }
0x6b: {  	[sflag:s21] =	ssyncadd.s32 $0xFFFFC000  }
0x6c: {  	_ =	swait.ge [sflag:s21], $0x4000  }
.Ltmp1:
0x6d: {  	[sflag:s21] =	ssyncset.done $0x0;
	(pc) =	sbr.rel @p0 .LBB2_1-.Ltmp1, $4  }
0x6e: {  	[sflag:s21] =	ssyncadd.s32 $0xFFFFC000  }
0x6f: {  	[hbm4b:s22+s2] =	stream.linear.scatter [tilespmem:s9], [sflag:$0x3], $0x10000, $0x38;
	[tilespmem:$0x10400] =	vst v63  }
0x70: {  	_ =	swait.ge [sflag:s3], $0x10000  }
0x71: {  	[sflag:s3] =	ssyncset.done $0x0  }
.LBB2_2:
0x72: {  	[sflag:s3] =	ssyncadd.s32 $0xFFFF0000  }
0x73: {  	_ =	sfence.sel $0x180000  }
0x74: {  	[bflag:$0x0] =	sbarrier.arrive $0xFFFF  }
0x75: {  	p0 =	sne.s32 s0, $0x0;
	_ =	strace $0x90000047  }
0x76: {  	s0 =	sadd.s32 @!p0 $0x100000, s1;
	[bflag:$0x2] =	sbarrier.arrive $0xFFFF  }
0x77: {  	[sflag:s0] =	ssyncadd.tile.s32 @!p0 $0x1;
	_ =	shalt  }
.Lfunc_end2:
_tile_overlayer_lowered:
.L_overlay_start_2:
0x78: {  	(tag) =	ssettag $0x2  }
0x79: {  	s0 =	rddreg [dreg:$0x0];
	s2 =	stileid.u32  }
0x7a: {  	s1 =	rddreg [dreg:$0x1];
	p0 =	sne.s32 s2, $0x0  }
0x7b: {  	s3 =	rddreg [dreg:$0x2];
	[bflag:$0x3] =	sbarrier.arrive $0xFFFF;
	s2 =	simm.s32 @!p0 $0x1C03  }
0x7c: {  	[timem:s3], [sflag:s2] =	dma.local @!p0 [hbm:s0], s1  }
0x7d: {  	s0 =	simm.s32 @!p0 $0x3  }
0x7e: {  	_ =	swait.ge @!p0 [sflag:s0], s1  }
0x7f: {  	s1 =	ssub.s32 @!p0 $0x0, s1;
	[sflag:s0] =	ssyncset.done @!p0 $0x0  }
0x80: {  	[sflag:s0] =	ssyncadd.s32 @!p0 s1  }
0x81: {  	[bflag:$0x3] =	sbarrier.arrive $0xFFFF  }
0x82: {  	_ =	shalt  }

</sc_bundles>
